<compile_context>
chip_gen: v7x
topology: tpu7x:2x2x1
jax: 0.10.2.dev20260603
libtpu: 0.0.44.dev20260713+nightly
codegen_flags: <defaults>
</compile_context>

<pallas_src>
import functools

import jax
import jax.numpy as jnp
from jax import lax
from jax.experimental import pallas as pl
from jax.experimental.pallas import tpu as pltpu
from jax.experimental.pallas import tpu_sc as plsc

NC, NS, LANES = 2, 16, 16
NW = NC * NS
ROWS, COLS = 4 * 4096, 2048
RPW = ROWS // NW
T = 8
NT = RPW // T
NB = 3
NG = NT // NB
assert NT % NB == 1


def _permute_body(param_hbm, perm_hbm, out_hbm, perm_v,
                  ins, outs, sis, sos):
    wid = lax.axis_index("s") * NC + lax.axis_index("c")
    base = wid * RPW
    pltpu.sync_copy(perm_hbm, perm_v)

    def start_in(t, b):
        pltpu.async_copy(param_hbm.at[pl.ds(base + t * T, T)], ins[b], sis[b])

    def wait_in(b):
        pltpu.make_async_copy(param_hbm.at[pl.ds(0, T)], ins[b], sis[b]).wait()

    def start_out(t, b):
        pltpu.async_copy(outs[b], out_hbm.at[pl.ds(base + t * T, T)], sos[b])

    def wait_out(b):
        pltpu.make_async_copy(outs[b], out_hbm.at[pl.ds(0, T)], sos[b]).wait()

    def compute(in_buf, out_buf):
        @plsc.parallel_loop(0, COLS // LANES, unroll=4)
        def _(j):
            j16 = j * LANES
            idx = perm_v[pl.ds(j16, LANES)]
            for r in range(T):
                row = jnp.full((LANES,), r, jnp.int32)
                out_buf[r, pl.ds(j16, LANES)] = plsc.load_gather(
                    in_buf, [row, idx]
                )

    for b in range(NB):
        start_in(b, b)

    def g_body(g, carry):
        for b in range(NB):
            t = NB * g + b
            wait_in(b)
            pl.when(g > 0)(lambda: wait_out(b))
            compute(ins[b], outs[b])
            start_out(t, b)
            pl.when(t + NB < NT)(lambda: start_in(t + NB, b))
        return carry

    lax.fori_loop(0, NG, g_body, 0)

    wait_in(0)
    wait_out(0)
    compute(ins[0], outs[0])
    start_out(NT - 1, 0)

    for b in range(NB):
        wait_out(b)


@jax.jit
def kernel(param, permutation):
    p2 = param.reshape(ROWS, COLS)
    perm = permutation.astype(jnp.int32)

    def body(param_hbm, perm_hbm, out_hbm, perm_v,
             in0, in1, in2, out0, out1, out2,
             si0, si1, si2, so0, so1, so2):
        _permute_body(param_hbm, perm_hbm, out_hbm, perm_v,
                      [in0, in1, in2], [out0, out1, out2],
                      [si0, si1, si2], [so0, so1, so2])

    run = pl.kernel(
        body,
        out_type=jax.ShapeDtypeStruct((ROWS, COLS), jnp.float32),
        mesh=plsc.VectorSubcoreMesh(
            core_axis_name="c", subcore_axis_name="s",
            num_cores=NC, num_subcores=NS,
        ),
        scratch_types=[
            pltpu.VMEM((COLS,), jnp.int32),
            pltpu.VMEM((T, COLS), jnp.float32),
            pltpu.VMEM((T, COLS), jnp.float32),
            pltpu.VMEM((T, COLS), jnp.float32),
            pltpu.VMEM((T, COLS), jnp.float32),
            pltpu.VMEM((T, COLS), jnp.float32),
            pltpu.VMEM((T, COLS), jnp.float32),
            pltpu.SemaphoreType.DMA,
            pltpu.SemaphoreType.DMA,
            pltpu.SemaphoreType.DMA,
            pltpu.SemaphoreType.DMA,
            pltpu.SemaphoreType.DMA,
            pltpu.SemaphoreType.DMA,
        ],
        compiler_params=pltpu.CompilerParams(
            needs_layout_passes=False,
            disable_bounds_checks=True,
            skip_device_barrier=True,
        ),
    )
    out = run(p2, perm)
    return out.reshape(param.shape)

# --- scband reference (transcript-rebuilt; emitter-appended) ---
"""Pipeline reference for scband-permutation-layer-37220186587620 (READ-ONLY COPY).

The authoritative reference and input builder live on the scoring server;
editing this copy changes nothing except your own understanding.
"""

import jax, jax.numpy as jnp
import numpy as np

IN_SZ = 2048

def setup_inputs(seed: int = 0) -> dict:
    key = jax.random.key(seed)
    k1, k2 = jax.random.split(key)
    param = jax.random.normal(k1, (4, 4096, IN_SZ), dtype=jnp.float32)
    permutation = jax.random.permutation(k2, IN_SZ)
    return {"param": param, "permutation": permutation}

def reference(param, permutation):
    # forward with inverse=False: index_select along last dim
    return jnp.take(param, permutation, axis=-1)

if __name__ == "__main__":
    import jax
    _d = setup_inputs()
    print(jax.jit(kernel)(*tuple(_d.values())))

</pallas_src>

<mosaic_0001>
#map = affine_map<(d0, d1) -> (0, 0)>
#map1 = affine_map<(d0, d1) -> (0)>
module attributes {stable_mosaic.version = 14 : i64} {
  func.func @body(%arg0: i32, %arg1: i32, %arg2: memref<16384x2048xf32, #tpu.memory_space<hbm>>, %arg3: memref<2048xi32, #tpu.memory_space<hbm>>, %arg4: memref<16384x2048xf32, #tpu.memory_space<hbm>>, %arg5: memref<2048xi32, #tpu.memory_space<vmem>>, %arg6: memref<8x2048xf32, #tpu.memory_space<vmem>>, %arg7: memref<8x2048xf32, #tpu.memory_space<vmem>>, %arg8: memref<8x2048xf32, #tpu.memory_space<vmem>>, %arg9: memref<8x2048xf32, #tpu.memory_space<vmem>>, %arg10: memref<8x2048xf32, #tpu.memory_space<vmem>>, %arg11: memref<8x2048xf32, #tpu.memory_space<vmem>>, %arg12: memref<!tpu.dma_semaphore, #tpu.memory_space<semaphore_mem>>, %arg13: memref<!tpu.dma_semaphore, #tpu.memory_space<semaphore_mem>>, %arg14: memref<!tpu.dma_semaphore, #tpu.memory_space<semaphore_mem>>, %arg15: memref<!tpu.dma_semaphore, #tpu.memory_space<semaphore_mem>>, %arg16: memref<!tpu.dma_semaphore, #tpu.memory_space<semaphore_mem>>, %arg17: memref<!tpu.dma_semaphore, #tpu.memory_space<semaphore_mem>>) attributes {dimension_semantics = [#tpu.dimension_semantics<core_parallel>, #tpu.dimension_semantics<subcore_parallel>], iteration_bounds = array<i64: 2, 16>, scalar_prefetch = 0 : i64, scratch_operands = 13 : i64, tpu.core_type = #tpu.core_type<sc_vector_subcore>, window_params = [{transform_indices = #map}, {transform_indices = #map1}, {transform_indices = #map}]} {
    %mul3A = arith.constant 2 : i32
    %mul3A_0 = arith.muli %arg1, %mul3A : i32
    %add3A = arith.addi %mul3A_0, %arg0 : i32
    %mul3A_1 = arith.constant 512 : i32
    %mul3A_2 = arith.muli %add3A, %mul3A_1 : i32
    "tpu.region"() ({
      %run_scoped3A = tpu.sem_alloc : memref<!tpu.dma_semaphore, #tpu.memory_space<semaphore_mem>>
      tpu.enqueue_dma source(%arg3 : memref<2048xi32, #tpu.memory_space<hbm>>) target(%arg5 : memref<2048xi32, #tpu.memory_space<vmem>>) target_semaphore(%run_scoped3A : memref<!tpu.dma_semaphore, #tpu.memory_space<semaphore_mem>>)
      tpu.wait_dma2 semaphore(%run_scoped3A : memref<!tpu.dma_semaphore, #tpu.memory_space<semaphore_mem>>) src(%arg3 : memref<2048xi32, #tpu.memory_space<hbm>>) dst(%arg5 : memref<2048xi32, #tpu.memory_space<vmem>>)
      tpu.yield
    }) : () -> ()
    %add3A_3 = arith.constant 0 : i32
    %add3A_4 = arith.addi %mul3A_2, %add3A_3 : i32
    %dma_start3A = arith.constant 0 : i32
    %dma_start3A_5 = tpu.memref_slice %arg2[%add3A_4, %dma_start3A] : memref<16384x2048xf32, #tpu.memory_space<hbm>> -> memref<8x2048xf32, #tpu.memory_space<hbm>>
    %dma_start3A_6 = arith.constant 0 : i32
    %dma_start3A_7 = tpu.memref_slice %arg2[%add3A_4, %dma_start3A_6] : memref<16384x2048xf32, #tpu.memory_space<hbm>> -> memref<8x2048xf32, #tpu.memory_space<hbm>>
    tpu.enqueue_dma source(%dma_start3A_7 : memref<8x2048xf32, #tpu.memory_space<hbm>>) target(%arg6 : memref<8x2048xf32, #tpu.memory_space<vmem>>) target_semaphore(%arg12 : memref<!tpu.dma_semaphore, #tpu.memory_space<semaphore_mem>>)
    %add3A_8 = arith.constant 8 : i32
    %add3A_9 = arith.addi %mul3A_2, %add3A_8 : i32
    %dma_start3A_10 = arith.constant 0 : i32
    %dma_start3A_11 = tpu.memref_slice %arg2[%add3A_9, %dma_start3A_10] : memref<16384x2048xf32, #tpu.memory_space<hbm>> -> memref<8x2048xf32, #tpu.memory_space<hbm>>
    %dma_start3A_12 = arith.constant 0 : i32
    %dma_start3A_13 = tpu.memref_slice %arg2[%add3A_9, %dma_start3A_12] : memref<16384x2048xf32, #tpu.memory_space<hbm>> -> memref<8x2048xf32, #tpu.memory_space<hbm>>
    tpu.enqueue_dma source(%dma_start3A_13 : memref<8x2048xf32, #tpu.memory_space<hbm>>) target(%arg7 : memref<8x2048xf32, #tpu.memory_space<vmem>>) target_semaphore(%arg13 : memref<!tpu.dma_semaphore, #tpu.memory_space<semaphore_mem>>)
    %add3A_14 = arith.constant 16 : i32
    %add3A_15 = arith.addi %mul3A_2, %add3A_14 : i32
    %dma_start3A_16 = arith.constant 0 : i32
    %dma_start3A_17 = tpu.memref_slice %arg2[%add3A_15, %dma_start3A_16] : memref<16384x2048xf32, #tpu.memory_space<hbm>> -> memref<8x2048xf32, #tpu.memory_space<hbm>>
    %dma_start3A_18 = arith.constant 0 : i32
    %dma_start3A_19 = tpu.memref_slice %arg2[%add3A_15, %dma_start3A_18] : memref<16384x2048xf32, #tpu.memory_space<hbm>> -> memref<8x2048xf32, #tpu.memory_space<hbm>>
    tpu.enqueue_dma source(%dma_start3A_19 : memref<8x2048xf32, #tpu.memory_space<hbm>>) target(%arg8 : memref<8x2048xf32, #tpu.memory_space<vmem>>) target_semaphore(%arg14 : memref<!tpu.dma_semaphore, #tpu.memory_space<semaphore_mem>>)
    %scan3A = arith.constant 0 : i32
    %scan3A_20 = arith.constant 0 : i32
    %scan3A_21 = arith.constant 21 : i32
    %scan3A_22 = arith.addi %scan3A_20, %scan3A_21 : i32
    %scan3A_23 = arith.constant 1 : i32
    scf.for %scan3A_62 = %scan3A_20 to %scan3A_22 step %scan3A_23  : i32 {
      %mul3A_63 = arith.constant 3 : i32
      %mul3A_64 = arith.muli %mul3A_63, %scan3A_62 : i32
      %add3A_65 = arith.constant 0 : i32
      %add3A_66 = arith.addi %mul3A_64, %add3A_65 : i32
      %dma_wait3A_67 = arith.constant 0 : i32
      %dma_wait3A_68 = arith.constant 0 : i32
      %dma_wait3A_69 = tpu.memref_slice %arg2[%dma_wait3A_67, %dma_wait3A_68] : memref<16384x2048xf32, #tpu.memory_space<hbm>> -> memref<8x2048xf32, #tpu.memory_space<hbm>>
      %dma_wait3A_70 = arith.constant 0 : i32
      %dma_wait3A_71 = arith.constant 0 : i32
      %dma_wait3A_72 = tpu.memref_slice %arg2[%dma_wait3A_70, %dma_wait3A_71] : memref<16384x2048xf32, #tpu.memory_space<hbm>> -> memref<8x2048xf32, #tpu.memory_space<hbm>>
      tpu.wait_dma2 semaphore(%arg12 : memref<!tpu.dma_semaphore, #tpu.memory_space<semaphore_mem>>) src(%dma_wait3A_72 : memref<8x2048xf32, #tpu.memory_space<hbm>>) dst(%arg6 : memref<8x2048xf32, #tpu.memory_space<vmem>>)
      %gt3A = arith.constant 0 : i32
      %gt3A_73 = arith.cmpi sgt, %scan3A_62, %gt3A : i32
      %convert_element_type3A = arith.extui %gt3A_73 : i1 to i32
      %cond3A = arith.constant 0 : i32
      %cond3A_74 = arith.cmpi ne, %convert_element_type3A, %cond3A : i32
      scf.if %cond3A_74 {
        %dma_wait3A_155 = arith.constant 0 : i32
        %dma_wait3A_156 = arith.constant 0 : i32
        %dma_wait3A_157 = tpu.memref_slice %arg4[%dma_wait3A_155, %dma_wait3A_156] : memref<16384x2048xf32, #tpu.memory_space<hbm>> -> memref<8x2048xf32, #tpu.memory_space<hbm>>
        %dma_wait3A_158 = arith.constant 0 : i32
        %dma_wait3A_159 = arith.constant 0 : i32
        %dma_wait3A_160 = tpu.memref_slice %arg4[%dma_wait3A_158, %dma_wait3A_159] : memref<16384x2048xf32, #tpu.memory_space<hbm>> -> memref<8x2048xf32, #tpu.memory_space<hbm>>
        tpu.wait_dma2 semaphore(%arg15 : memref<!tpu.dma_semaphore, #tpu.memory_space<semaphore_mem>>) src(%arg9 : memref<8x2048xf32, #tpu.memory_space<vmem>>) dst(%dma_wait3A_160 : memref<8x2048xf32, #tpu.memory_space<hbm>>)
      } else {
      }
      %parallel_loop3A_75 = arith.constant 0 : i32
      %parallel_loop3A_76 = arith.constant 128 : i32
      %parallel_loop3A_77 = arith.constant 1 : i32
      scf.for %parallel_loop3A_155 = %parallel_loop3A_75 to %parallel_loop3A_76 step %parallel_loop3A_77  : i32 {
        %parallel_loop3A_156 = arith.constant 16 : i32
        %parallel_loop3A_157 = arith.muli %parallel_loop3A_155, %parallel_loop3A_156 : i32
        %parallel_loop3A_158 = arith.index_cast %parallel_loop3A_157 : i32 to index
        %parallel_loop3A_159 = tpu.vector_load %arg5[%parallel_loop3A_158] {strides = array<i32>} : memref<2048xi32, #tpu.memory_space<vmem>>, vector<16xi32>,
        %parallel_loop3A_160 = arith.constant 0 : i32
        %parallel_loop3A_161 = vector.broadcast %parallel_loop3A_160 : i32 to vector<16xi32>
        %parallel_loop3A_162 = tpu.vector_load_idx %arg6[%parallel_loop3A_161, %parallel_loop3A_159] : memref<8x2048xf32, #tpu.memory_space<vmem>>[vector<16xi32>, vector<16xi32>], vector<16xf32>,
        %parallel_loop3A_163 = arith.constant 0 : i32
        %parallel_loop3A_164 = arith.index_cast %parallel_loop3A_163 : i32 to index
        %parallel_loop3A_165 = arith.index_cast %parallel_loop3A_157 : i32 to index
        %parallel_loop3A_166 = tpu.vector_load %arg9[%parallel_loop3A_164, %parallel_loop3A_165] {strides = array<i32>} : memref<8x2048xf32, #tpu.memory_space<vmem>>, vector<16xf32>,
        tpu.vector_store %arg9[%parallel_loop3A_164, %parallel_loop3A_165], %parallel_loop3A_162 {strides = array<i32>} : memref<8x2048xf32, #tpu.memory_space<vmem>>, vector<16xf32>,
        %parallel_loop3A_167 = arith.constant 1 : i32
        %parallel_loop3A_168 = vector.broadcast %parallel_loop3A_167 : i32 to vector<16xi32>
        %parallel_loop3A_169 = tpu.vector_load_idx %arg6[%parallel_loop3A_168, %parallel_loop3A_159] : memref<8x2048xf32, #tpu.memory_space<vmem>>[vector<16xi32>, vector<16xi32>], vector<16xf32>,
        %parallel_loop3A_170 = arith.constant 1 : i32
        %parallel_loop3A_171 = arith.index_cast %parallel_loop3A_170 : i32 to index
        %parallel_loop3A_172 = arith.index_cast %parallel_loop3A_157 : i32 to index
        %parallel_loop3A_173 = tpu.vector_load %arg9[%parallel_loop3A_171, %parallel_loop3A_172] {strides = array<i32>} : memref<8x2048xf32, #tpu.memory_space<vmem>>, vector<16xf32>,
        tpu.vector_store %arg9[%parallel_loop3A_171, %parallel_loop3A_172], %parallel_loop3A_169 {strides = array<i32>} : memref<8x2048xf32, #tpu.memory_space<vmem>>, vector<16xf32>,
        %parallel_loop3A_174 = arith.constant 2 : i32
        %parallel_loop3A_175 = vector.broadcast %parallel_loop3A_174 : i32 to vector<16xi32>
        %parallel_loop3A_176 = tpu.vector_load_idx %arg6[%parallel_loop3A_175, %parallel_loop3A_159] : memref<8x2048xf32, #tpu.memory_space<vmem>>[vector<16xi32>, vector<16xi32>], vector<16xf32>,
        %parallel_loop3A_177 = arith.constant 2 : i32
        %parallel_loop3A_178 = arith.index_cast %parallel_loop3A_177 : i32 to index
        %parallel_loop3A_179 = arith.index_cast %parallel_loop3A_157 : i32 to index
        %parallel_loop3A_180 = tpu.vector_load %arg9[%parallel_loop3A_178, %parallel_loop3A_179] {strides = array<i32>} : memref<8x2048xf32, #tpu.memory_space<vmem>>, vector<16xf32>,
        tpu.vector_store %arg9[%parallel_loop3A_178, %parallel_loop3A_179], %parallel_loop3A_176 {strides = array<i32>} : memref<8x2048xf32, #tpu.memory_space<vmem>>, vector<16xf32>,
        %parallel_loop3A_181 = arith.constant 3 : i32
        %parallel_loop3A_182 = vector.broadcast %parallel_loop3A_181 : i32 to vector<16xi32>
        %parallel_loop3A_183 = tpu.vector_load_idx %arg6[%parallel_loop3A_182, %parallel_loop3A_159] : memref<8x2048xf32, #tpu.memory_space<vmem>>[vector<16xi32>, vector<16xi32>], vector<16xf32>,
        %parallel_loop3A_184 = arith.constant 3 : i32
        %parallel_loop3A_185 = arith.index_cast %parallel_loop3A_184 : i32 to index
        %parallel_loop3A_186 = arith.index_cast %parallel_loop3A_157 : i32 to index
        %parallel_loop3A_187 = tpu.vector_load %arg9[%parallel_loop3A_185, %parallel_loop3A_186] {strides = array<i32>} : memref<8x2048xf32, #tpu.memory_space<vmem>>, vector<16xf32>,
        tpu.vector_store %arg9[%parallel_loop3A_185, %parallel_loop3A_186], %parallel_loop3A_183 {strides = array<i32>} : memref<8x2048xf32, #tpu.memory_space<vmem>>, vector<16xf32>,
        %parallel_loop3A_188 = arith.constant 4 : i32
        %parallel_loop3A_189 = vector.broadcast %parallel_loop3A_188 : i32 to vector<16xi32>
        %parallel_loop3A_190 = tpu.vector_load_idx %arg6[%parallel_loop3A_189, %parallel_loop3A_159] : memref<8x2048xf32, #tpu.memory_space<vmem>>[vector<16xi32>, vector<16xi32>], vector<16xf32>,
        %parallel_loop3A_191 = arith.constant 4 : i32
        %parallel_loop3A_192 = arith.index_cast %parallel_loop3A_191 : i32 to index
        %parallel_loop3A_193 = arith.index_cast %parallel_loop3A_157 : i32 to index
        %parallel_loop3A_194 = tpu.vector_load %arg9[%parallel_loop3A_192, %parallel_loop3A_193] {strides = array<i32>} : memref<8x2048xf32, #tpu.memory_space<vmem>>, vector<16xf32>,
        tpu.vector_store %arg9[%parallel_loop3A_192, %parallel_loop3A_193], %parallel_loop3A_190 {strides = array<i32>} : memref<8x2048xf32, #tpu.memory_space<vmem>>, vector<16xf32>,
        %parallel_loop3A_195 = arith.constant 5 : i32
        %parallel_loop3A_196 = vector.broadcast %parallel_loop3A_195 : i32 to vector<16xi32>
        %parallel_loop3A_197 = tpu.vector_load_idx %arg6[%parallel_loop3A_196, %parallel_loop3A_159] : memref<8x2048xf32, #tpu.memory_space<vmem>>[vector<16xi32>, vector<16xi32>], vector<16xf32>,
        %parallel_loop3A_198 = arith.constant 5 : i32
        %parallel_loop3A_199 = arith.index_cast %parallel_loop3A_198 : i32 to index
        %parallel_loop3A_200 = arith.index_cast %parallel_loop3A_157 : i32 to index
        %parallel_loop3A_201 = tpu.vector_load %arg9[%parallel_loop3A_199, %parallel_loop3A_200] {strides = array<i32>} : memref<8x2048xf32, #tpu.memory_space<vmem>>, vector<16xf32>,
        tpu.vector_store %arg9[%parallel_loop3A_199, %parallel_loop3A_200], %parallel_loop3A_197 {strides = array<i32>} : memref<8x2048xf32, #tpu.memory_space<vmem>>, vector<16xf32>,
        %parallel_loop3A_202 = arith.constant 6 : i32
        %parallel_loop3A_203 = vector.broadcast %parallel_loop3A_202 : i32 to vector<16xi32>
        %parallel_loop3A_204 = tpu.vector_load_idx %arg6[%parallel_loop3A_203, %parallel_loop3A_159] : memref<8x2048xf32, #tpu.memory_space<vmem>>[vector<16xi32>, vector<16xi32>], vector<16xf32>,
        %parallel_loop3A_205 = arith.constant 6 : i32
        %parallel_loop3A_206 = arith.index_cast %parallel_loop3A_205 : i32 to index
        %parallel_loop3A_207 = arith.index_cast %parallel_loop3A_157 : i32 to index
        %parallel_loop3A_208 = tpu.vector_load %arg9[%parallel_loop3A_206, %parallel_loop3A_207] {strides = array<i32>} : memref<8x2048xf32, #tpu.memory_space<vmem>>, vector<16xf32>,
        tpu.vector_store %arg9[%parallel_loop3A_206, %parallel_loop3A_207], %parallel_loop3A_204 {strides = array<i32>} : memref<8x2048xf32, #tpu.memory_space<vmem>>, vector<16xf32>,
        %parallel_loop3A_209 = arith.constant 7 : i32
        %parallel_loop3A_210 = vector.broadcast %parallel_loop3A_209 : i32 to vector<16xi32>
        %parallel_loop3A_211 = tpu.vector_load_idx %arg6[%parallel_loop3A_210, %parallel_loop3A_159] : memref<8x2048xf32, #tpu.memory_space<vmem>>[vector<16xi32>, vector<16xi32>], vector<16xf32>,
        %parallel_loop3A_212 = arith.constant 7 : i32
        %parallel_loop3A_213 = arith.index_cast %parallel_loop3A_212 : i32 to index
        %parallel_loop3A_214 = arith.index_cast %parallel_loop3A_157 : i32 to index
        %parallel_loop3A_215 = tpu.vector_load %arg9[%parallel_loop3A_213, %parallel_loop3A_214] {strides = array<i32>} : memref<8x2048xf32, #tpu.memory_space<vmem>>, vector<16xf32>,
        tpu.vector_store %arg9[%parallel_loop3A_213, %parallel_loop3A_214], %parallel_loop3A_211 {strides = array<i32>} : memref<8x2048xf32, #tpu.memory_space<vmem>>, vector<16xf32>,
      } {sc.loop_unroll_factor = 4 : i64, sc.parallel_access}
      %mul3A_78 = arith.constant 8 : i32
      %mul3A_79 = arith.muli %add3A_66, %mul3A_78 : i32
      %add3A_80 = arith.addi %mul3A_2, %mul3A_79 : i32
      %dma_start3A_81 = arith.constant 0 : i32
      %dma_start3A_82 = tpu.memref_slice %arg4[%add3A_80, %dma_start3A_81] : memref<16384x2048xf32, #tpu.memory_space<hbm>> -> memref<8x2048xf32, #tpu.memory_space<hbm>>
      %dma_start3A_83 = arith.constant 0 : i32
      %dma_start3A_84 = tpu.memref_slice %arg4[%add3A_80, %dma_start3A_83] : memref<16384x2048xf32, #tpu.memory_space<hbm>> -> memref<8x2048xf32, #tpu.memory_space<hbm>>
      tpu.enqueue_dma source(%arg9 : memref<8x2048xf32, #tpu.memory_space<vmem>>) target(%dma_start3A_84 : memref<8x2048xf32, #tpu.memory_space<hbm>>) target_semaphore(%arg15 : memref<!tpu.dma_semaphore, #tpu.memory_space<semaphore_mem>>)
      %add3A_85 = arith.constant 3 : i32
      %add3A_86 = arith.addi %add3A_66, %add3A_85 : i32
      %lt3A = arith.constant 64 : i32
      %lt3A_87 = arith.cmpi slt, %add3A_86, %lt3A : i32
      %convert_element_type3A_88 = arith.extui %lt3A_87 : i1 to i32
      %cond3A_89 = arith.constant 0 : i32
      %cond3A_90 = arith.cmpi ne, %convert_element_type3A_88, %cond3A_89 : i32
      scf.if %cond3A_90 {
        %add3A_155 = arith.constant 3 : i32
        %add3A_156 = arith.addi %add3A_66, %add3A_155 : i32
        %mul3A_157 = arith.constant 8 : i32
        %mul3A_158 = arith.muli %add3A_156, %mul3A_157 : i32
        %add3A_159 = arith.addi %mul3A_2, %mul3A_158 : i32
        %dma_start3A_160 = arith.constant 0 : i32
        %dma_start3A_161 = tpu.memref_slice %arg2[%add3A_159, %dma_start3A_160] : memref<16384x2048xf32, #tpu.memory_space<hbm>> -> memref<8x2048xf32, #tpu.memory_space<hbm>>
        %dma_start3A_162 = arith.constant 0 : i32
        %dma_start3A_163 = tpu.memref_slice %arg2[%add3A_159, %dma_start3A_162] : memref<16384x2048xf32, #tpu.memory_space<hbm>> -> memref<8x2048xf32, #tpu.memory_space<hbm>>
        tpu.enqueue_dma source(%dma_start3A_163 : memref<8x2048xf32, #tpu.memory_space<hbm>>) target(%arg6 : memref<8x2048xf32, #tpu.memory_space<vmem>>) target_semaphore(%arg12 : memref<!tpu.dma_semaphore, #tpu.memory_space<semaphore_mem>>)
      } else {
      }
      %mul3A_91 = arith.constant 3 : i32
      %mul3A_92 = arith.muli %mul3A_91, %scan3A_62 : i32
      %add3A_93 = arith.constant 1 : i32
      %add3A_94 = arith.addi %mul3A_92, %add3A_93 : i32
      %dma_wait3A_95 = arith.constant 0 : i32
      %dma_wait3A_96 = arith.constant 0 : i32
      %dma_wait3A_97 = tpu.memref_slice %arg2[%dma_wait3A_95, %dma_wait3A_96] : memref<16384x2048xf32, #tpu.memory_space<hbm>> -> memref<8x2048xf32, #tpu.memory_space<hbm>>
      %dma_wait3A_98 = arith.constant 0 : i32
      %dma_wait3A_99 = arith.constant 0 : i32
      %dma_wait3A_100 = tpu.memref_slice %arg2[%dma_wait3A_98, %dma_wait3A_99] : memref<16384x2048xf32, #tpu.memory_space<hbm>> -> memref<8x2048xf32, #tpu.memory_space<hbm>>
      tpu.wait_dma2 semaphore(%arg13 : memref<!tpu.dma_semaphore, #tpu.memory_space<semaphore_mem>>) src(%dma_wait3A_100 : memref<8x2048xf32, #tpu.memory_space<hbm>>) dst(%arg7 : memref<8x2048xf32, #tpu.memory_space<vmem>>)
      %gt3A_101 = arith.constant 0 : i32
      %gt3A_102 = arith.cmpi sgt, %scan3A_62, %gt3A_101 : i32
      %convert_element_type3A_103 = arith.extui %gt3A_102 : i1 to i32
      %cond3A_104 = arith.constant 0 : i32
      %cond3A_105 = arith.cmpi ne, %convert_element_type3A_103, %cond3A_104 : i32
      scf.if %cond3A_105 {
        %dma_wait3A_155 = arith.constant 0 : i32
        %dma_wait3A_156 = arith.constant 0 : i32
        %dma_wait3A_157 = tpu.memref_slice %arg4[%dma_wait3A_155, %dma_wait3A_156] : memref<16384x2048xf32, #tpu.memory_space<hbm>> -> memref<8x2048xf32, #tpu.memory_space<hbm>>
        %dma_wait3A_158 = arith.constant 0 : i32
        %dma_wait3A_159 = arith.constant 0 : i32
        %dma_wait3A_160 = tpu.memref_slice %arg4[%dma_wait3A_158, %dma_wait3A_159] : memref<16384x2048xf32, #tpu.memory_space<hbm>> -> memref<8x2048xf32, #tpu.memory_space<hbm>>
        tpu.wait_dma2 semaphore(%arg16 : memref<!tpu.dma_semaphore, #tpu.memory_space<semaphore_mem>>) src(%arg10 : memref<8x2048xf32, #tpu.memory_space<vmem>>) dst(%dma_wait3A_160 : memref<8x2048xf32, #tpu.memory_space<hbm>>)
      } else {
      }
      %parallel_loop3A_106 = arith.constant 0 : i32
      %parallel_loop3A_107 = arith.constant 128 : i32
      %parallel_loop3A_108 = arith.constant 1 : i32
      scf.for %parallel_loop3A_155 = %parallel_loop3A_106 to %parallel_loop3A_107 step %parallel_loop3A_108  : i32 {
        %parallel_loop3A_156 = arith.constant 16 : i32
        %parallel_loop3A_157 = arith.muli %parallel_loop3A_155, %parallel_loop3A_156 : i32
        %parallel_loop3A_158 = arith.index_cast %parallel_loop3A_157 : i32 to index
        %parallel_loop3A_159 = tpu.vector_load %arg5[%parallel_loop3A_158] {strides = array<i32>} : memref<2048xi32, #tpu.memory_space<vmem>>, vector<16xi32>,
        %parallel_loop3A_160 = arith.constant 0 : i32
        %parallel_loop3A_161 = vector.broadcast %parallel_loop3A_160 : i32 to vector<16xi32>
        %parallel_loop3A_162 = tpu.vector_load_idx %arg7[%parallel_loop3A_161, %parallel_loop3A_159] : memref<8x2048xf32, #tpu.memory_space<vmem>>[vector<16xi32>, vector<16xi32>], vector<16xf32>,
        %parallel_loop3A_163 = arith.constant 0 : i32
        %parallel_loop3A_164 = arith.index_cast %parallel_loop3A_163 : i32 to index
        %parallel_loop3A_165 = arith.index_cast %parallel_loop3A_157 : i32 to index
        %parallel_loop3A_166 = tpu.vector_load %arg10[%parallel_loop3A_164, %parallel_loop3A_165] {strides = array<i32>} : memref<8x2048xf32, #tpu.memory_space<vmem>>, vector<16xf32>,
        tpu.vector_store %arg10[%parallel_loop3A_164, %parallel_loop3A_165], %parallel_loop3A_162 {strides = array<i32>} : memref<8x2048xf32, #tpu.memory_space<vmem>>, vector<16xf32>,
        %parallel_loop3A_167 = arith.constant 1 : i32
        %parallel_loop3A_168 = vector.broadcast %parallel_loop3A_167 : i32 to vector<16xi32>
        %parallel_loop3A_169 = tpu.vector_load_idx %arg7[%parallel_loop3A_168, %parallel_loop3A_159] : memref<8x2048xf32, #tpu.memory_space<vmem>>[vector<16xi32>, vector<16xi32>], vector<16xf32>,
        %parallel_loop3A_170 = arith.constant 1 : i32
        %parallel_loop3A_171 = arith.index_cast %parallel_loop3A_170 : i32 to index
        %parallel_loop3A_172 = arith.index_cast %parallel_loop3A_157 : i32 to index
        %parallel_loop3A_173 = tpu.vector_load %arg10[%parallel_loop3A_171, %parallel_loop3A_172] {strides = array<i32>} : memref<8x2048xf32, #tpu.memory_space<vmem>>, vector<16xf32>,
        tpu.vector_store %arg10[%parallel_loop3A_171, %parallel_loop3A_172], %parallel_loop3A_169 {strides = array<i32>} : memref<8x2048xf32, #tpu.memory_space<vmem>>, vector<16xf32>,
        %parallel_loop3A_174 = arith.constant 2 : i32
        %parallel_loop3A_175 = vector.broadcast %parallel_loop3A_174 : i32 to vector<16xi32>
        %parallel_loop3A_176 = tpu.vector_load_idx %arg7[%parallel_loop3A_175, %parallel_loop3A_159] : memref<8x2048xf32, #tpu.memory_space<vmem>>[vector<16xi32>, vector<16xi32>], vector<16xf32>,
        %parallel_loop3A_177 = arith.constant 2 : i32
        %parallel_loop3A_178 = arith.index_cast %parallel_loop3A_177 : i32 to index
        %parallel_loop3A_179 = arith.index_cast %parallel_loop3A_157 : i32 to index
        %parallel_loop3A_180 = tpu.vector_load %arg10[%parallel_loop3A_178, %parallel_loop3A_179] {strides = array<i32>} : memref<8x2048xf32, #tpu.memory_space<vmem>>, vector<16xf32>,
        tpu.vector_store %arg10[%parallel_loop3A_178, %parallel_loop3A_179], %parallel_loop3A_176 {strides = array<i32>} : memref<8x2048xf32, #tpu.memory_space<vmem>>, vector<16xf32>,
        %parallel_loop3A_181 = arith.constant 3 : i32
        %parallel_loop3A_182 = vector.broadcast %parallel_loop3A_181 : i32 to vector<16xi32>
        %parallel_loop3A_183 = tpu.vector_load_idx %arg7[%parallel_loop3A_182, %parallel_loop3A_159] : memref<8x2048xf32, #tpu.memory_space<vmem>>[vector<16xi32>, vector<16xi32>], vector<16xf32>,
        %parallel_loop3A_184 = arith.constant 3 : i32
        %parallel_loop3A_185 = arith.index_cast %parallel_loop3A_184 : i32 to index
        %parallel_loop3A_186 = arith.index_cast %parallel_loop3A_157 : i32 to index
        %parallel_loop3A_187 = tpu.vector_load %arg10[%parallel_loop3A_185, %parallel_loop3A_186] {strides = array<i32>} : memref<8x2048xf32, #tpu.memory_space<vmem>>, vector<16xf32>,
        tpu.vector_store %arg10[%parallel_loop3A_185, %parallel_loop3A_186], %parallel_loop3A_183 {strides = array<i32>} : memref<8x2048xf32, #tpu.memory_space<vmem>>, vector<16xf32>,
        %parallel_loop3A_188 = arith.constant 4 : i32
        %parallel_loop3A_189 = vector.broadcast %parallel_loop3A_188 : i32 to vector<16xi32>
        %parallel_loop3A_190 = tpu.vector_load_idx %arg7[%parallel_loop3A_189, %parallel_loop3A_159] : memref<8x2048xf32, #tpu.memory_space<vmem>>[vector<16xi32>, vector<16xi32>], vector<16xf32>,
        %parallel_loop3A_191 = arith.constant 4 : i32
        %parallel_loop3A_192 = arith.index_cast %parallel_loop3A_191 : i32 to index
        %parallel_loop3A_193 = arith.index_cast %parallel_loop3A_157 : i32 to index
        %parallel_loop3A_194 = tpu.vector_load %arg10[%parallel_loop3A_192, %parallel_loop3A_193] {strides = array<i32>} : memref<8x2048xf32, #tpu.memory_space<vmem>>, vector<16xf32>,
        tpu.vector_store %arg10[%parallel_loop3A_192, %parallel_loop3A_193], %parallel_loop3A_190 {strides = array<i32>} : memref<8x2048xf32, #tpu.memory_space<vmem>>, vector<16xf32>,
        %parallel_loop3A_195 = arith.constant 5 : i32
        %parallel_loop3A_196 = vector.broadcast %parallel_loop3A_195 : i32 to vector<16xi32>
        %parallel_loop3A_197 = tpu.vector_load_idx %arg7[%parallel_loop3A_196, %parallel_loop3A_159] : memref<8x2048xf32, #tpu.memory_space<vmem>>[vector<16xi32>, vector<16xi32>], vector<16xf32>,
        %parallel_loop3A_198 = arith.constant 5 : i32
        %parallel_loop3A_199 = arith.index_cast %parallel_loop3A_198 : i32 to index
        %parallel_loop3A_200 = arith.index_cast %parallel_loop3A_157 : i32 to index
        %parallel_loop3A_201 = tpu.vector_load %arg10[%parallel_loop3A_199, %parallel_loop3A_200] {strides = array<i32>} : memref<8x2048xf32, #tpu.memory_space<vmem>>, vector<16xf32>,
        tpu.vector_store %arg10[%parallel_loop3A_199, %parallel_loop3A_200], %parallel_loop3A_197 {strides = array<i32>} : memref<8x2048xf32, #tpu.memory_space<vmem>>, vector<16xf32>,
        %parallel_loop3A_202 = arith.constant 6 : i32
        %parallel_loop3A_203 = vector.broadcast %parallel_loop3A_202 : i32 to vector<16xi32>
        %parallel_loop3A_204 = tpu.vector_load_idx %arg7[%parallel_loop3A_203, %parallel_loop3A_159] : memref<8x2048xf32, #tpu.memory_space<vmem>>[vector<16xi32>, vector<16xi32>], vector<16xf32>,
        %parallel_loop3A_205 = arith.constant 6 : i32
        %parallel_loop3A_206 = arith.index_cast %parallel_loop3A_205 : i32 to index
        %parallel_loop3A_207 = arith.index_cast %parallel_loop3A_157 : i32 to index
        %parallel_loop3A_208 = tpu.vector_load %arg10[%parallel_loop3A_206, %parallel_loop3A_207] {strides = array<i32>} : memref<8x2048xf32, #tpu.memory_space<vmem>>, vector<16xf32>,
        tpu.vector_store %arg10[%parallel_loop3A_206, %parallel_loop3A_207], %parallel_loop3A_204 {strides = array<i32>} : memref<8x2048xf32, #tpu.memory_space<vmem>>, vector<16xf32>,
        %parallel_loop3A_209 = arith.constant 7 : i32
        %parallel_loop3A_210 = vector.broadcast %parallel_loop3A_209 : i32 to vector<16xi32>
        %parallel_loop3A_211 = tpu.vector_load_idx %arg7[%parallel_loop3A_210, %parallel_loop3A_159] : memref<8x2048xf32, #tpu.memory_space<vmem>>[vector<16xi32>, vector<16xi32>], vector<16xf32>,
        %parallel_loop3A_212 = arith.constant 7 : i32
        %parallel_loop3A_213 = arith.index_cast %parallel_loop3A_212 : i32 to index
        %parallel_loop3A_214 = arith.index_cast %parallel_loop3A_157 : i32 to index
        %parallel_loop3A_215 = tpu.vector_load %arg10[%parallel_loop3A_213, %parallel_loop3A_214] {strides = array<i32>} : memref<8x2048xf32, #tpu.memory_space<vmem>>, vector<16xf32>,
        tpu.vector_store %arg10[%parallel_loop3A_213, %parallel_loop3A_214], %parallel_loop3A_211 {strides = array<i32>} : memref<8x2048xf32, #tpu.memory_space<vmem>>, vector<16xf32>,
      } {sc.loop_unroll_factor = 4 : i64, sc.parallel_access}
      %mul3A_109 = arith.constant 8 : i32
      %mul3A_110 = arith.muli %add3A_94, %mul3A_109 : i32
      %add3A_111 = arith.addi %mul3A_2, %mul3A_110 : i32
      %dma_start3A_112 = arith.constant 0 : i32
      %dma_start3A_113 = tpu.memref_slice %arg4[%add3A_111, %dma_start3A_112] : memref<16384x2048xf32, #tpu.memory_space<hbm>> -> memref<8x2048xf32, #tpu.memory_space<hbm>>
      %dma_start3A_114 = arith.constant 0 : i32
      %dma_start3A_115 = tpu.memref_slice %arg4[%add3A_111, %dma_start3A_114] : memref<16384x2048xf32, #tpu.memory_space<hbm>> -> memref<8x2048xf32, #tpu.memory_space<hbm>>
      tpu.enqueue_dma source(%arg10 : memref<8x2048xf32, #tpu.memory_space<vmem>>) target(%dma_start3A_115 : memref<8x2048xf32, #tpu.memory_space<hbm>>) target_semaphore(%arg16 : memref<!tpu.dma_semaphore, #tpu.memory_space<semaphore_mem>>)
      %add3A_116 = arith.constant 3 : i32
      %add3A_117 = arith.addi %add3A_94, %add3A_116 : i32
      %lt3A_118 = arith.constant 64 : i32
      %lt3A_119 = arith.cmpi slt, %add3A_117, %lt3A_118 : i32
      %convert_element_type3A_120 = arith.extui %lt3A_119 : i1 to i32
      %cond3A_121 = arith.constant 0 : i32
      %cond3A_122 = arith.cmpi ne, %convert_element_type3A_120, %cond3A_121 : i32
      scf.if %cond3A_122 {
        %add3A_155 = arith.constant 3 : i32
        %add3A_156 = arith.addi %add3A_94, %add3A_155 : i32
        %mul3A_157 = arith.constant 8 : i32
        %mul3A_158 = arith.muli %add3A_156, %mul3A_157 : i32
        %add3A_159 = arith.addi %mul3A_2, %mul3A_158 : i32
        %dma_start3A_160 = arith.constant 0 : i32
        %dma_start3A_161 = tpu.memref_slice %arg2[%add3A_159, %dma_start3A_160] : memref<16384x2048xf32, #tpu.memory_space<hbm>> -> memref<8x2048xf32, #tpu.memory_space<hbm>>
        %dma_start3A_162 = arith.constant 0 : i32
        %dma_start3A_163 = tpu.memref_slice %arg2[%add3A_159, %dma_start3A_162] : memref<16384x2048xf32, #tpu.memory_space<hbm>> -> memref<8x2048xf32, #tpu.memory_space<hbm>>
        tpu.enqueue_dma source(%dma_start3A_163 : memref<8x2048xf32, #tpu.memory_space<hbm>>) target(%arg7 : memref<8x2048xf32, #tpu.memory_space<vmem>>) target_semaphore(%arg13 : memref<!tpu.dma_semaphore, #tpu.memory_space<semaphore_mem>>)
      } else {
      }
      %mul3A_123 = arith.constant 3 : i32
      %mul3A_124 = arith.muli %mul3A_123, %scan3A_62 : i32
      %add3A_125 = arith.constant 2 : i32
      %add3A_126 = arith.addi %mul3A_124, %add3A_125 : i32
      %dma_wait3A_127 = arith.constant 0 : i32
      %dma_wait3A_128 = arith.constant 0 : i32
      %dma_wait3A_129 = tpu.memref_slice %arg2[%dma_wait3A_127, %dma_wait3A_128] : memref<16384x2048xf32, #tpu.memory_space<hbm>> -> memref<8x2048xf32, #tpu.memory_space<hbm>>
      %dma_wait3A_130 = arith.constant 0 : i32
      %dma_wait3A_131 = arith.constant 0 : i32
      %dma_wait3A_132 = tpu.memref_slice %arg2[%dma_wait3A_130, %dma_wait3A_131] : memref<16384x2048xf32, #tpu.memory_space<hbm>> -> memref<8x2048xf32, #tpu.memory_space<hbm>>
      tpu.wait_dma2 semaphore(%arg14 : memref<!tpu.dma_semaphore, #tpu.memory_space<semaphore_mem>>) src(%dma_wait3A_132 : memref<8x2048xf32, #tpu.memory_space<hbm>>) dst(%arg8 : memref<8x2048xf32, #tpu.memory_space<vmem>>)
      %gt3A_133 = arith.constant 0 : i32
      %gt3A_134 = arith.cmpi sgt, %scan3A_62, %gt3A_133 : i32
      %convert_element_type3A_135 = arith.extui %gt3A_134 : i1 to i32
      %cond3A_136 = arith.constant 0 : i32
      %cond3A_137 = arith.cmpi ne, %convert_element_type3A_135, %cond3A_136 : i32
      scf.if %cond3A_137 {
        %dma_wait3A_155 = arith.constant 0 : i32
        %dma_wait3A_156 = arith.constant 0 : i32
        %dma_wait3A_157 = tpu.memref_slice %arg4[%dma_wait3A_155, %dma_wait3A_156] : memref<16384x2048xf32, #tpu.memory_space<hbm>> -> memref<8x2048xf32, #tpu.memory_space<hbm>>
        %dma_wait3A_158 = arith.constant 0 : i32
        %dma_wait3A_159 = arith.constant 0 : i32
        %dma_wait3A_160 = tpu.memref_slice %arg4[%dma_wait3A_158, %dma_wait3A_159] : memref<16384x2048xf32, #tpu.memory_space<hbm>> -> memref<8x2048xf32, #tpu.memory_space<hbm>>
        tpu.wait_dma2 semaphore(%arg17 : memref<!tpu.dma_semaphore, #tpu.memory_space<semaphore_mem>>) src(%arg11 : memref<8x2048xf32, #tpu.memory_space<vmem>>) dst(%dma_wait3A_160 : memref<8x2048xf32, #tpu.memory_space<hbm>>)
      } else {
      }
      %parallel_loop3A_138 = arith.constant 0 : i32
      %parallel_loop3A_139 = arith.constant 128 : i32
      %parallel_loop3A_140 = arith.constant 1 : i32
      scf.for %parallel_loop3A_155 = %parallel_loop3A_138 to %parallel_loop3A_139 step %parallel_loop3A_140  : i32 {
        %parallel_loop3A_156 = arith.constant 16 : i32
        %parallel_loop3A_157 = arith.muli %parallel_loop3A_155, %parallel_loop3A_156 : i32
        %parallel_loop3A_158 = arith.index_cast %parallel_loop3A_157 : i32 to index
        %parallel_loop3A_159 = tpu.vector_load %arg5[%parallel_loop3A_158] {strides = array<i32>} : memref<2048xi32, #tpu.memory_space<vmem>>, vector<16xi32>,
        %parallel_loop3A_160 = arith.constant 0 : i32
        %parallel_loop3A_161 = vector.broadcast %parallel_loop3A_160 : i32 to vector<16xi32>
        %parallel_loop3A_162 = tpu.vector_load_idx %arg8[%parallel_loop3A_161, %parallel_loop3A_159] : memref<8x2048xf32, #tpu.memory_space<vmem>>[vector<16xi32>, vector<16xi32>], vector<16xf32>,
        %parallel_loop3A_163 = arith.constant 0 : i32
        %parallel_loop3A_164 = arith.index_cast %parallel_loop3A_163 : i32 to index
        %parallel_loop3A_165 = arith.index_cast %parallel_loop3A_157 : i32 to index
        %parallel_loop3A_166 = tpu.vector_load %arg11[%parallel_loop3A_164, %parallel_loop3A_165] {strides = array<i32>} : memref<8x2048xf32, #tpu.memory_space<vmem>>, vector<16xf32>,
        tpu.vector_store %arg11[%parallel_loop3A_164, %parallel_loop3A_165], %parallel_loop3A_162 {strides = array<i32>} : memref<8x2048xf32, #tpu.memory_space<vmem>>, vector<16xf32>,
        %parallel_loop3A_167 = arith.constant 1 : i32
        %parallel_loop3A_168 = vector.broadcast %parallel_loop3A_167 : i32 to vector<16xi32>
        %parallel_loop3A_169 = tpu.vector_load_idx %arg8[%parallel_loop3A_168, %parallel_loop3A_159] : memref<8x2048xf32, #tpu.memory_space<vmem>>[vector<16xi32>, vector<16xi32>], vector<16xf32>,
        %parallel_loop3A_170 = arith.constant 1 : i32
        %parallel_loop3A_171 = arith.index_cast %parallel_loop3A_170 : i32 to index
        %parallel_loop3A_172 = arith.index_cast %parallel_loop3A_157 : i32 to index
        %parallel_loop3A_173 = tpu.vector_load %arg11[%parallel_loop3A_171, %parallel_loop3A_172] {strides = array<i32>} : memref<8x2048xf32, #tpu.memory_space<vmem>>, vector<16xf32>,
        tpu.vector_store %arg11[%parallel_loop3A_171, %parallel_loop3A_172], %parallel_loop3A_169 {strides = array<i32>} : memref<8x2048xf32, #tpu.memory_space<vmem>>, vector<16xf32>,
        %parallel_loop3A_174 = arith.constant 2 : i32
        %parallel_loop3A_175 = vector.broadcast %parallel_loop3A_174 : i32 to vector<16xi32>
        %parallel_loop3A_176 = tpu.vector_load_idx %arg8[%parallel_loop3A_175, %parallel_loop3A_159] : memref<8x2048xf32, #tpu.memory_space<vmem>>[vector<16xi32>, vector<16xi32>], vector<16xf32>,
        %parallel_loop3A_177 = arith.constant 2 : i32
        %parallel_loop3A_178 = arith.index_cast %parallel_loop3A_177 : i32 to index
        %parallel_loop3A_179 = arith.index_cast %parallel_loop3A_157 : i32 to index
        %parallel_loop3A_180 = tpu.vector_load %arg11[%parallel_loop3A_178, %parallel_loop3A_179] {strides = array<i32>} : memref<8x2048xf32, #tpu.memory_space<vmem>>, vector<16xf32>,
        tpu.vector_store %arg11[%parallel_loop3A_178, %parallel_loop3A_179], %parallel_loop3A_176 {strides = array<i32>} : memref<8x2048xf32, #tpu.memory_space<vmem>>, vector<16xf32>,
        %parallel_loop3A_181 = arith.constant 3 : i32
        %parallel_loop3A_182 = vector.broadcast %parallel_loop3A_181 : i32 to vector<16xi32>
        %parallel_loop3A_183 = tpu.vector_load_idx %arg8[%parallel_loop3A_182, %parallel_loop3A_159] : memref<8x2048xf32, #tpu.memory_space<vmem>>[vector<16xi32>, vector<16xi32>], vector<16xf32>,
        %parallel_loop3A_184 = arith.constant 3 : i32
        %parallel_loop3A_185 = arith.index_cast %parallel_loop3A_184 : i32 to index
        %parallel_loop3A_186 = arith.index_cast %parallel_loop3A_157 : i32 to index
        %parallel_loop3A_187 = tpu.vector_load %arg11[%parallel_loop3A_185, %parallel_loop3A_186] {strides = array<i32>} : memref<8x2048xf32, #tpu.memory_space<vmem>>, vector<16xf32>,
        tpu.vector_store %arg11[%parallel_loop3A_185, %parallel_loop3A_186], %parallel_loop3A_183 {strides = array<i32>} : memref<8x2048xf32, #tpu.memory_space<vmem>>, vector<16xf32>,
        %parallel_loop3A_188 = arith.constant 4 : i32
        %parallel_loop3A_189 = vector.broadcast %parallel_loop3A_188 : i32 to vector<16xi32>
        %parallel_loop3A_190 = tpu.vector_load_idx %arg8[%parallel_loop3A_189, %parallel_loop3A_159] : memref<8x2048xf32, #tpu.memory_space<vmem>>[vector<16xi32>, vector<16xi32>], vector<16xf32>,
        %parallel_loop3A_191 = arith.constant 4 : i32
        %parallel_loop3A_192 = arith.index_cast %parallel_loop3A_191 : i32 to index
        %parallel_loop3A_193 = arith.index_cast %parallel_loop3A_157 : i32 to index
        %parallel_loop3A_194 = tpu.vector_load %arg11[%parallel_loop3A_192, %parallel_loop3A_193] {strides = array<i32>} : memref<8x2048xf32, #tpu.memory_space<vmem>>, vector<16xf32>,
        tpu.vector_store %arg11[%parallel_loop3A_192, %parallel_loop3A_193], %parallel_loop3A_190 {strides = array<i32>} : memref<8x2048xf32, #tpu.memory_space<vmem>>, vector<16xf32>,
        %parallel_loop3A_195 = arith.constant 5 : i32
        %parallel_loop3A_196 = vector.broadcast %parallel_loop3A_195 : i32 to vector<16xi32>
        %parallel_loop3A_197 = tpu.vector_load_idx %arg8[%parallel_loop3A_196, %parallel_loop3A_159] : memref<8x2048xf32, #tpu.memory_space<vmem>>[vector<16xi32>, vector<16xi32>], vector<16xf32>,
        %parallel_loop3A_198 = arith.constant 5 : i32
        %parallel_loop3A_199 = arith.index_cast %parallel_loop3A_198 : i32 to index
        %parallel_loop3A_200 = arith.index_cast %parallel_loop3A_157 : i32 to index
        %parallel_loop3A_201 = tpu.vector_load %arg11[%parallel_loop3A_199, %parallel_loop3A_200] {strides = array<i32>} : memref<8x2048xf32, #tpu.memory_space<vmem>>, vector<16xf32>,
        tpu.vector_store %arg11[%parallel_loop3A_199, %parallel_loop3A_200], %parallel_loop3A_197 {strides = array<i32>} : memref<8x2048xf32, #tpu.memory_space<vmem>>, vector<16xf32>,
        %parallel_loop3A_202 = arith.constant 6 : i32
        %parallel_loop3A_203 = vector.broadcast %parallel_loop3A_202 : i32 to vector<16xi32>
        %parallel_loop3A_204 = tpu.vector_load_idx %arg8[%parallel_loop3A_203, %parallel_loop3A_159] : memref<8x2048xf32, #tpu.memory_space<vmem>>[vector<16xi32>, vector<16xi32>], vector<16xf32>,
        %parallel_loop3A_205 = arith.constant 6 : i32
        %parallel_loop3A_206 = arith.index_cast %parallel_loop3A_205 : i32 to index
        %parallel_loop3A_207 = arith.index_cast %parallel_loop3A_157 : i32 to index
        %parallel_loop3A_208 = tpu.vector_load %arg11[%parallel_loop3A_206, %parallel_loop3A_207] {strides = array<i32>} : memref<8x2048xf32, #tpu.memory_space<vmem>>, vector<16xf32>,
        tpu.vector_store %arg11[%parallel_loop3A_206, %parallel_loop3A_207], %parallel_loop3A_204 {strides = array<i32>} : memref<8x2048xf32, #tpu.memory_space<vmem>>, vector<16xf32>,
        %parallel_loop3A_209 = arith.constant 7 : i32
        %parallel_loop3A_210 = vector.broadcast %parallel_loop3A_209 : i32 to vector<16xi32>
        %parallel_loop3A_211 = tpu.vector_load_idx %arg8[%parallel_loop3A_210, %parallel_loop3A_159] : memref<8x2048xf32, #tpu.memory_space<vmem>>[vector<16xi32>, vector<16xi32>], vector<16xf32>,
        %parallel_loop3A_212 = arith.constant 7 : i32
        %parallel_loop3A_213 = arith.index_cast %parallel_loop3A_212 : i32 to index
        %parallel_loop3A_214 = arith.index_cast %parallel_loop3A_157 : i32 to index
        %parallel_loop3A_215 = tpu.vector_load %arg11[%parallel_loop3A_213, %parallel_loop3A_214] {strides = array<i32>} : memref<8x2048xf32, #tpu.memory_space<vmem>>, vector<16xf32>,
        tpu.vector_store %arg11[%parallel_loop3A_213, %parallel_loop3A_214], %parallel_loop3A_211 {strides = array<i32>} : memref<8x2048xf32, #tpu.memory_space<vmem>>, vector<16xf32>,
      } {sc.loop_unroll_factor = 4 : i64, sc.parallel_access}
      %mul3A_141 = arith.constant 8 : i32
      %mul3A_142 = arith.muli %add3A_126, %mul3A_141 : i32
      %add3A_143 = arith.addi %mul3A_2, %mul3A_142 : i32
      %dma_start3A_144 = arith.constant 0 : i32
      %dma_start3A_145 = tpu.memref_slice %arg4[%add3A_143, %dma_start3A_144] : memref<16384x2048xf32, #tpu.memory_space<hbm>> -> memref<8x2048xf32, #tpu.memory_space<hbm>>
      %dma_start3A_146 = arith.constant 0 : i32
      %dma_start3A_147 = tpu.memref_slice %arg4[%add3A_143, %dma_start3A_146] : memref<16384x2048xf32, #tpu.memory_space<hbm>> -> memref<8x2048xf32, #tpu.memory_space<hbm>>
      tpu.enqueue_dma source(%arg11 : memref<8x2048xf32, #tpu.memory_space<vmem>>) target(%dma_start3A_147 : memref<8x2048xf32, #tpu.memory_space<hbm>>) target_semaphore(%arg17 : memref<!tpu.dma_semaphore, #tpu.memory_space<semaphore_mem>>)
      %add3A_148 = arith.constant 3 : i32
      %add3A_149 = arith.addi %add3A_126, %add3A_148 : i32
      %lt3A_150 = arith.constant 64 : i32
      %lt3A_151 = arith.cmpi slt, %add3A_149, %lt3A_150 : i32
      %convert_element_type3A_152 = arith.extui %lt3A_151 : i1 to i32
      %cond3A_153 = arith.constant 0 : i32
      %cond3A_154 = arith.cmpi ne, %convert_element_type3A_152, %cond3A_153 : i32
      scf.if %cond3A_154 {
        %add3A_155 = arith.constant 3 : i32
        %add3A_156 = arith.addi %add3A_126, %add3A_155 : i32
        %mul3A_157 = arith.constant 8 : i32
        %mul3A_158 = arith.muli %add3A_156, %mul3A_157 : i32
        %add3A_159 = arith.addi %mul3A_2, %mul3A_158 : i32
        %dma_start3A_160 = arith.constant 0 : i32
        %dma_start3A_161 = tpu.memref_slice %arg2[%add3A_159, %dma_start3A_160] : memref<16384x2048xf32, #tpu.memory_space<hbm>> -> memref<8x2048xf32, #tpu.memory_space<hbm>>
        %dma_start3A_162 = arith.constant 0 : i32
        %dma_start3A_163 = tpu.memref_slice %arg2[%add3A_159, %dma_start3A_162] : memref<16384x2048xf32, #tpu.memory_space<hbm>> -> memref<8x2048xf32, #tpu.memory_space<hbm>>
        tpu.enqueue_dma source(%dma_start3A_163 : memref<8x2048xf32, #tpu.memory_space<hbm>>) target(%arg8 : memref<8x2048xf32, #tpu.memory_space<vmem>>) target_semaphore(%arg14 : memref<!tpu.dma_semaphore, #tpu.memory_space<semaphore_mem>>)
      } else {
      }
    }
    %scan3A_24 = arith.constant 21 : i32
    %dma_wait3A = arith.constant 0 : i32
    %dma_wait3A_25 = arith.constant 0 : i32
    %dma_wait3A_26 = tpu.memref_slice %arg2[%dma_wait3A, %dma_wait3A_25] : memref<16384x2048xf32, #tpu.memory_space<hbm>> -> memref<8x2048xf32, #tpu.memory_space<hbm>>
    %dma_wait3A_27 = arith.constant 0 : i32
    %dma_wait3A_28 = arith.constant 0 : i32
    %dma_wait3A_29 = tpu.memref_slice %arg2[%dma_wait3A_27, %dma_wait3A_28] : memref<16384x2048xf32, #tpu.memory_space<hbm>> -> memref<8x2048xf32, #tpu.memory_space<hbm>>
    tpu.wait_dma2 semaphore(%arg12 : memref<!tpu.dma_semaphore, #tpu.memory_space<semaphore_mem>>) src(%dma_wait3A_29 : memref<8x2048xf32, #tpu.memory_space<hbm>>) dst(%arg6 : memref<8x2048xf32, #tpu.memory_space<vmem>>)
    %dma_wait3A_30 = arith.constant 0 : i32
    %dma_wait3A_31 = arith.constant 0 : i32
    %dma_wait3A_32 = tpu.memref_slice %arg4[%dma_wait3A_30, %dma_wait3A_31] : memref<16384x2048xf32, #tpu.memory_space<hbm>> -> memref<8x2048xf32, #tpu.memory_space<hbm>>
    %dma_wait3A_33 = arith.constant 0 : i32
    %dma_wait3A_34 = arith.constant 0 : i32
    %dma_wait3A_35 = tpu.memref_slice %arg4[%dma_wait3A_33, %dma_wait3A_34] : memref<16384x2048xf32, #tpu.memory_space<hbm>> -> memref<8x2048xf32, #tpu.memory_space<hbm>>
    tpu.wait_dma2 semaphore(%arg15 : memref<!tpu.dma_semaphore, #tpu.memory_space<semaphore_mem>>) src(%arg9 : memref<8x2048xf32, #tpu.memory_space<vmem>>) dst(%dma_wait3A_35 : memref<8x2048xf32, #tpu.memory_space<hbm>>)
    %parallel_loop3A = arith.constant 0 : i32
    %parallel_loop3A_36 = arith.constant 128 : i32
    %parallel_loop3A_37 = arith.constant 1 : i32
    scf.for %parallel_loop3A_62 = %parallel_loop3A to %parallel_loop3A_36 step %parallel_loop3A_37  : i32 {
      %parallel_loop3A_63 = arith.constant 16 : i32
      %parallel_loop3A_64 = arith.muli %parallel_loop3A_62, %parallel_loop3A_63 : i32
      %parallel_loop3A_65 = arith.index_cast %parallel_loop3A_64 : i32 to index
      %parallel_loop3A_66 = tpu.vector_load %arg5[%parallel_loop3A_65] {strides = array<i32>} : memref<2048xi32, #tpu.memory_space<vmem>>, vector<16xi32>,
      %parallel_loop3A_67 = arith.constant 0 : i32
      %parallel_loop3A_68 = vector.broadcast %parallel_loop3A_67 : i32 to vector<16xi32>
      %parallel_loop3A_69 = tpu.vector_load_idx %arg6[%parallel_loop3A_68, %parallel_loop3A_66] : memref<8x2048xf32, #tpu.memory_space<vmem>>[vector<16xi32>, vector<16xi32>], vector<16xf32>,
      %parallel_loop3A_70 = arith.constant 0 : i32
      %parallel_loop3A_71 = arith.index_cast %parallel_loop3A_70 : i32 to index
      %parallel_loop3A_72 = arith.index_cast %parallel_loop3A_64 : i32 to index
      %parallel_loop3A_73 = tpu.vector_load %arg9[%parallel_loop3A_71, %parallel_loop3A_72] {strides = array<i32>} : memref<8x2048xf32, #tpu.memory_space<vmem>>, vector<16xf32>,
      tpu.vector_store %arg9[%parallel_loop3A_71, %parallel_loop3A_72], %parallel_loop3A_69 {strides = array<i32>} : memref<8x2048xf32, #tpu.memory_space<vmem>>, vector<16xf32>,
      %parallel_loop3A_74 = arith.constant 1 : i32
      %parallel_loop3A_75 = vector.broadcast %parallel_loop3A_74 : i32 to vector<16xi32>
      %parallel_loop3A_76 = tpu.vector_load_idx %arg6[%parallel_loop3A_75, %parallel_loop3A_66] : memref<8x2048xf32, #tpu.memory_space<vmem>>[vector<16xi32>, vector<16xi32>], vector<16xf32>,
      %parallel_loop3A_77 = arith.constant 1 : i32
      %parallel_loop3A_78 = arith.index_cast %parallel_loop3A_77 : i32 to index
      %parallel_loop3A_79 = arith.index_cast %parallel_loop3A_64 : i32 to index
      %parallel_loop3A_80 = tpu.vector_load %arg9[%parallel_loop3A_78, %parallel_loop3A_79] {strides = array<i32>} : memref<8x2048xf32, #tpu.memory_space<vmem>>, vector<16xf32>,
      tpu.vector_store %arg9[%parallel_loop3A_78, %parallel_loop3A_79], %parallel_loop3A_76 {strides = array<i32>} : memref<8x2048xf32, #tpu.memory_space<vmem>>, vector<16xf32>,
      %parallel_loop3A_81 = arith.constant 2 : i32
      %parallel_loop3A_82 = vector.broadcast %parallel_loop3A_81 : i32 to vector<16xi32>
      %parallel_loop3A_83 = tpu.vector_load_idx %arg6[%parallel_loop3A_82, %parallel_loop3A_66] : memref<8x2048xf32, #tpu.memory_space<vmem>>[vector<16xi32>, vector<16xi32>], vector<16xf32>,
      %parallel_loop3A_84 = arith.constant 2 : i32
      %parallel_loop3A_85 = arith.index_cast %parallel_loop3A_84 : i32 to index
      %parallel_loop3A_86 = arith.index_cast %parallel_loop3A_64 : i32 to index
      %parallel_loop3A_87 = tpu.vector_load %arg9[%parallel_loop3A_85, %parallel_loop3A_86] {strides = array<i32>} : memref<8x2048xf32, #tpu.memory_space<vmem>>, vector<16xf32>,
      tpu.vector_store %arg9[%parallel_loop3A_85, %parallel_loop3A_86], %parallel_loop3A_83 {strides = array<i32>} : memref<8x2048xf32, #tpu.memory_space<vmem>>, vector<16xf32>,
      %parallel_loop3A_88 = arith.constant 3 : i32
      %parallel_loop3A_89 = vector.broadcast %parallel_loop3A_88 : i32 to vector<16xi32>
      %parallel_loop3A_90 = tpu.vector_load_idx %arg6[%parallel_loop3A_89, %parallel_loop3A_66] : memref<8x2048xf32, #tpu.memory_space<vmem>>[vector<16xi32>, vector<16xi32>], vector<16xf32>,
      %parallel_loop3A_91 = arith.constant 3 : i32
      %parallel_loop3A_92 = arith.index_cast %parallel_loop3A_91 : i32 to index
      %parallel_loop3A_93 = arith.index_cast %parallel_loop3A_64 : i32 to index
      %parallel_loop3A_94 = tpu.vector_load %arg9[%parallel_loop3A_92, %parallel_loop3A_93] {strides = array<i32>} : memref<8x2048xf32, #tpu.memory_space<vmem>>, vector<16xf32>,
      tpu.vector_store %arg9[%parallel_loop3A_92, %parallel_loop3A_93], %parallel_loop3A_90 {strides = array<i32>} : memref<8x2048xf32, #tpu.memory_space<vmem>>, vector<16xf32>,
      %parallel_loop3A_95 = arith.constant 4 : i32
      %parallel_loop3A_96 = vector.broadcast %parallel_loop3A_95 : i32 to vector<16xi32>
      %parallel_loop3A_97 = tpu.vector_load_idx %arg6[%parallel_loop3A_96, %parallel_loop3A_66] : memref<8x2048xf32, #tpu.memory_space<vmem>>[vector<16xi32>, vector<16xi32>], vector<16xf32>,
      %parallel_loop3A_98 = arith.constant 4 : i32
      %parallel_loop3A_99 = arith.index_cast %parallel_loop3A_98 : i32 to index
      %parallel_loop3A_100 = arith.index_cast %parallel_loop3A_64 : i32 to index
      %parallel_loop3A_101 = tpu.vector_load %arg9[%parallel_loop3A_99, %parallel_loop3A_100] {strides = array<i32>} : memref<8x2048xf32, #tpu.memory_space<vmem>>, vector<16xf32>,
      tpu.vector_store %arg9[%parallel_loop3A_99, %parallel_loop3A_100], %parallel_loop3A_97 {strides = array<i32>} : memref<8x2048xf32, #tpu.memory_space<vmem>>, vector<16xf32>,
      %parallel_loop3A_102 = arith.constant 5 : i32
      %parallel_loop3A_103 = vector.broadcast %parallel_loop3A_102 : i32 to vector<16xi32>
      %parallel_loop3A_104 = tpu.vector_load_idx %arg6[%parallel_loop3A_103, %parallel_loop3A_66] : memref<8x2048xf32, #tpu.memory_space<vmem>>[vector<16xi32>, vector<16xi32>], vector<16xf32>,
      %parallel_loop3A_105 = arith.constant 5 : i32
      %parallel_loop3A_106 = arith.index_cast %parallel_loop3A_105 : i32 to index
      %parallel_loop3A_107 = arith.index_cast %parallel_loop3A_64 : i32 to index
      %parallel_loop3A_108 = tpu.vector_load %arg9[%parallel_loop3A_106, %parallel_loop3A_107] {strides = array<i32>} : memref<8x2048xf32, #tpu.memory_space<vmem>>, vector<16xf32>,
      tpu.vector_store %arg9[%parallel_loop3A_106, %parallel_loop3A_107], %parallel_loop3A_104 {strides = array<i32>} : memref<8x2048xf32, #tpu.memory_space<vmem>>, vector<16xf32>,
      %parallel_loop3A_109 = arith.constant 6 : i32
      %parallel_loop3A_110 = vector.broadcast %parallel_loop3A_109 : i32 to vector<16xi32>
      %parallel_loop3A_111 = tpu.vector_load_idx %arg6[%parallel_loop3A_110, %parallel_loop3A_66] : memref<8x2048xf32, #tpu.memory_space<vmem>>[vector<16xi32>, vector<16xi32>], vector<16xf32>,
      %parallel_loop3A_112 = arith.constant 6 : i32
      %parallel_loop3A_113 = arith.index_cast %parallel_loop3A_112 : i32 to index
      %parallel_loop3A_114 = arith.index_cast %parallel_loop3A_64 : i32 to index
      %parallel_loop3A_115 = tpu.vector_load %arg9[%parallel_loop3A_113, %parallel_loop3A_114] {strides = array<i32>} : memref<8x2048xf32, #tpu.memory_space<vmem>>, vector<16xf32>,
      tpu.vector_store %arg9[%parallel_loop3A_113, %parallel_loop3A_114], %parallel_loop3A_111 {strides = array<i32>} : memref<8x2048xf32, #tpu.memory_space<vmem>>, vector<16xf32>,
      %parallel_loop3A_116 = arith.constant 7 : i32
      %parallel_loop3A_117 = vector.broadcast %parallel_loop3A_116 : i32 to vector<16xi32>
      %parallel_loop3A_118 = tpu.vector_load_idx %arg6[%parallel_loop3A_117, %parallel_loop3A_66] : memref<8x2048xf32, #tpu.memory_space<vmem>>[vector<16xi32>, vector<16xi32>], vector<16xf32>,
      %parallel_loop3A_119 = arith.constant 7 : i32
      %parallel_loop3A_120 = arith.index_cast %parallel_loop3A_119 : i32 to index
      %parallel_loop3A_121 = arith.index_cast %parallel_loop3A_64 : i32 to index
      %parallel_loop3A_122 = tpu.vector_load %arg9[%parallel_loop3A_120, %parallel_loop3A_121] {strides = array<i32>} : memref<8x2048xf32, #tpu.memory_space<vmem>>, vector<16xf32>,
      tpu.vector_store %arg9[%parallel_loop3A_120, %parallel_loop3A_121], %parallel_loop3A_118 {strides = array<i32>} : memref<8x2048xf32, #tpu.memory_space<vmem>>, vector<16xf32>,
    } {sc.loop_unroll_factor = 4 : i64, sc.parallel_access}
    %add3A_38 = arith.constant 504 : i32
    %add3A_39 = arith.addi %mul3A_2, %add3A_38 : i32
    %dma_start3A_40 = arith.constant 0 : i32
    %dma_start3A_41 = tpu.memref_slice %arg4[%add3A_39, %dma_start3A_40] : memref<16384x2048xf32, #tpu.memory_space<hbm>> -> memref<8x2048xf32, #tpu.memory_space<hbm>>
    %dma_start3A_42 = arith.constant 0 : i32
    %dma_start3A_43 = tpu.memref_slice %arg4[%add3A_39, %dma_start3A_42] : memref<16384x2048xf32, #tpu.memory_space<hbm>> -> memref<8x2048xf32, #tpu.memory_space<hbm>>
    tpu.enqueue_dma source(%arg9 : memref<8x2048xf32, #tpu.memory_space<vmem>>) target(%dma_start3A_43 : memref<8x2048xf32, #tpu.memory_space<hbm>>) target_semaphore(%arg15 : memref<!tpu.dma_semaphore, #tpu.memory_space<semaphore_mem>>)
    %dma_wait3A_44 = arith.constant 0 : i32
    %dma_wait3A_45 = arith.constant 0 : i32
    %dma_wait3A_46 = tpu.memref_slice %arg4[%dma_wait3A_44, %dma_wait3A_45] : memref<16384x2048xf32, #tpu.memory_space<hbm>> -> memref<8x2048xf32, #tpu.memory_space<hbm>>
    %dma_wait3A_47 = arith.constant 0 : i32
    %dma_wait3A_48 = arith.constant 0 : i32
    %dma_wait3A_49 = tpu.memref_slice %arg4[%dma_wait3A_47, %dma_wait3A_48] : memref<16384x2048xf32, #tpu.memory_space<hbm>> -> memref<8x2048xf32, #tpu.memory_space<hbm>>
    tpu.wait_dma2 semaphore(%arg15 : memref<!tpu.dma_semaphore, #tpu.memory_space<semaphore_mem>>) src(%arg9 : memref<8x2048xf32, #tpu.memory_space<vmem>>) dst(%dma_wait3A_49 : memref<8x2048xf32, #tpu.memory_space<hbm>>)
    %dma_wait3A_50 = arith.constant 0 : i32
    %dma_wait3A_51 = arith.constant 0 : i32
    %dma_wait3A_52 = tpu.memref_slice %arg4[%dma_wait3A_50, %dma_wait3A_51] : memref<16384x2048xf32, #tpu.memory_space<hbm>> -> memref<8x2048xf32, #tpu.memory_space<hbm>>
    %dma_wait3A_53 = arith.constant 0 : i32
    %dma_wait3A_54 = arith.constant 0 : i32
    %dma_wait3A_55 = tpu.memref_slice %arg4[%dma_wait3A_53, %dma_wait3A_54] : memref<16384x2048xf32, #tpu.memory_space<hbm>> -> memref<8x2048xf32, #tpu.memory_space<hbm>>
    tpu.wait_dma2 semaphore(%arg16 : memref<!tpu.dma_semaphore, #tpu.memory_space<semaphore_mem>>) src(%arg10 : memref<8x2048xf32, #tpu.memory_space<vmem>>) dst(%dma_wait3A_55 : memref<8x2048xf32, #tpu.memory_space<hbm>>)
    %dma_wait3A_56 = arith.constant 0 : i32
    %dma_wait3A_57 = arith.constant 0 : i32
    %dma_wait3A_58 = tpu.memref_slice %arg4[%dma_wait3A_56, %dma_wait3A_57] : memref<16384x2048xf32, #tpu.memory_space<hbm>> -> memref<8x2048xf32, #tpu.memory_space<hbm>>
    %dma_wait3A_59 = arith.constant 0 : i32
    %dma_wait3A_60 = arith.constant 0 : i32
    %dma_wait3A_61 = tpu.memref_slice %arg4[%dma_wait3A_59, %dma_wait3A_60] : memref<16384x2048xf32, #tpu.memory_space<hbm>> -> memref<8x2048xf32, #tpu.memory_space<hbm>>
    tpu.wait_dma2 semaphore(%arg17 : memref<!tpu.dma_semaphore, #tpu.memory_space<semaphore_mem>>) src(%arg11 : memref<8x2048xf32, #tpu.memory_space<vmem>>) dst(%dma_wait3A_61 : memref<8x2048xf32, #tpu.memory_space<hbm>>)
    return
  }
}

</mosaic_0001>

<sc_bundles>
// kernel: kernel.3.cloned.1.call-start
scs
__scs_entry_jumppad:
0x0: {  	(pc) =	sbr.rel $0x88, $3  }
0x1: {  	(tag) =	ssettag $0x0;
	lr =	simm.s32 $0x1  }
0x2: {  	[smem:$0x3F9F] =	sst lr;
	_ =	strace $0xD0000000  }
0x3: {  	_ = 	snop  }
0x4: {  	_ = 	snop  }
0x5: {  	_ = 	snop  }
0x6: {  	_ = 	snop  }
0x7: {  	_ = 	snop  }
__scs_overlays_trampoline_lowered:
0x8: {  	[smem:$0x3FAE] =	sst s0  }
0x9: {  	[smem:$0x3FAF] =	sst s1  }
0xa: {  	[smem:$0x3FB0] =	sst s2  }
0xb: {  	[smem:$0x3FB1] =	sst s3  }
0xc: {  	[smem:$0x3FB2] =	sst s4  }
0xd: {  	[smem:$0x3FB3] =	sst s5  }
0xe: {  	[smem:$0x3FB4] =	sst s6  }
0xf: {  	[smem:$0x3FB5] =	sst s7  }
0x10: {  	[smem:$0x3FB6] =	sst s8  }
0x11: {  	[smem:$0x3FB7] =	sst s9;
	s0 =	simm.s32 @!p0 $0x0  }
0x12: {  	s1 =	sld [smem:$0x3F9D];
	s0 =	simm.s32 @p0 $0x1  }
0x13: {  	[smem:$0x3FB8] =	sst s0;
	s0 =	simm.s32 @!p1 $0x0  }
0x14: {  	s2 =	sld [smem:$0x3F9C];
	s0 =	simm.s32 @p1 $0x1  }
0x15: {  	[smem:$0x3FB9] =	sst s0;
	s0 =	simm.s32 @!p2 $0x0  }
0x16: {  	s3 =	sld [smem:$0x3FDB];
	s0 =	simm.s32 @p2 $0x1  }
0x17: {  	s4 =	simm.s32 $0x1BF5;
	[smem:$0x3FBB] =	sst s0  }
0x18: {  	s0 =	sld [smem:$0x3F9E];
	_ =	swait.ge [sflag:s4], $0x0  }
0x19: {  	s7 =	sld [smem:$0x3F9F]  }
0x1a: {  	s8 =	sadd.s32 $0xFFFFE003, lr  }
0x1b: {  	s9 =	sadd.s32 $0xFFFFFEF7, lr;
	s5 =	simm.s32 $0xFFFFFFFF;
	p2 =	slt.u32 s8, $0xFFFFF086  }
0x1c: {  	p1 =	slt.u32 s9, $0xF7A;
	s5 =	simm.s32 @!p2 $0x0  }
0x1d: {  	s5 =	simm.s32 @p1 $0x1;
	p0 =	seq.s32 s7, s2  }
0x1e: {  	s7 =	smul.u32 @!p0 $0xF7A, s2;
	p2 =	seq.s32 @!p0 s5, $0x0  }
0x1f: {  	s9 =	smul.u32 $0xF7A, s1;
	s8 =	simm.s32 @!p0 $0x1BF5;
	p2 =	por !p2, p0  }
0x20: {  	[sflag:s8] =	ssyncset.s32 @!p0 $0xFFFFF086;
	s6 =	sadd.s32 @!p0 s3, s7;
	s7 =	simm.s32 @!p0 $0x108  }
0x21: {  	s3 =	sadd.s32 s3, s9;
	s6 =	sadd.s32 @!p0 $0x88, s6;
	s7 =	simm.s32 @p2 $0x1082  }
0x22: {  	[simem:s7], [sflag:s8] =	dma.local @!p0 [hbm:s6], $0xF7A  }
0x23: {  	s9 =	sor.u32 $0xD0000000, s2;
	s6 =	simm.s32 $0x108;
	_ =	swait.ge @!p0 [sflag:s8], $0x0  }
0x24: {  	s3 =	sadd.s32 $0x88, s3;
	s6 =	simm.s32 @!p1 $0x1082;
	[sflag:s4] =	ssyncset.s32 $0xFFFFF086  }
0x25: {  	[simem:s6], [sflag:s4] =	dma.local [hbm:s3], $0xF7A  }
0x26: {  	[smem:$0x3F9F] =	sst s1;
	(tag) =	ssettag s2;
	_ =	strace s9  }
0x27: {  	s1 =	sld [smem:$0x3FAF]  }
0x28: {  	s2 =	sld [smem:$0x3FB0]  }
0x29: {  	s4 =	sld [smem:$0x3FB2]  }
0x2a: {  	p0 =	seq.s32 s5, $0x0;
	s5 =	sld [smem:$0x3FB3]  }
0x2b: {  	s6 =	sld [smem:$0x3FB4]  }
0x2c: {  	s7 =	sld [smem:$0x3FB5]  }
0x2d: {  	s3 =	simm.s32 $0x108;
	s8 =	sld [smem:$0x3FB6]  }
0x2e: {  	s3 =	simm.s32 @!p0 $0x1082;
	s9 =	sld [smem:$0x3FB7]  }
0x2f: {  	lr =	sadd.s32 s0, s3;
	s0 =	sld [smem:$0x3FAE]  }
0x30: {  	s3 =	sld [smem:$0x3FB1]  }
0x31: {  	[smem:$0x3FBA] =	sst s10  }
0x32: {  	s10 =	sld [smem:$0x3FB8];
	_ =	sdelay $0x3  }
0x33: {  	p0 =	seq.s32 s10, $0x1;
	s10 =	sld [smem:$0x3FBA];
	_ =	sdelay $0x3  }
0x34: {  	[smem:$0x3FBA] =	sst s10  }
0x35: {  	s10 =	sld [smem:$0x3FB9];
	_ =	sdelay $0x3  }
0x36: {  	p1 =	seq.s32 s10, $0x1;
	s10 =	sld [smem:$0x3FBA];
	_ =	sdelay $0x3  }
0x37: {  	[smem:$0x3FBA] =	sst s10  }
0x38: {  	s10 =	sld [smem:$0x3FBB]  }
0x39: {  	_ = 	snop;
	(pc) =	sbr.ind lr, $3  }
0x3a: {  	_ = 	snop  }
0x3b: {  	_ = 	snop  }
0x3c: {  	p2 =	seq.s32 s10, $0x1;
	s10 =	sld [smem:$0x3FBA]  }
0x3d: {  	_ =	shalt  }
0x3e: {  	_ =	shalt  }
0x3f: {  	_ =	shalt  }
0x40: {  	_ =	shalt  }
0x41: {  	_ =	shalt  }
0x42: {  	_ =	shalt  }
0x43: {  	_ =	shalt  }
0x44: {  	_ =	shalt  }
0x45: {  	_ =	shalt  }
0x46: {  	_ =	shalt  }
0x47: {  	_ =	shalt  }
0x48: {  	_ =	shalt  }
0x49: {  	_ =	shalt  }
0x4a: {  	_ =	shalt  }
0x4b: {  	_ =	shalt  }
0x4c: {  	_ =	shalt  }
0x4d: {  	_ =	shalt  }
0x4e: {  	_ =	shalt  }
0x4f: {  	_ =	shalt  }
0x50: {  	_ =	shalt  }
0x51: {  	_ =	shalt  }
0x52: {  	_ =	shalt  }
0x53: {  	_ =	shalt  }
0x54: {  	_ =	shalt  }
0x55: {  	_ =	shalt  }
0x56: {  	_ =	shalt  }
0x57: {  	_ =	shalt  }
0x58: {  	_ =	shalt  }
0x59: {  	_ =	shalt  }
0x5a: {  	_ =	shalt  }
0x5b: {  	_ =	shalt  }
0x5c: {  	_ =	shalt  }
0x5d: {  	_ =	shalt  }
0x5e: {  	_ =	shalt  }
0x5f: {  	_ =	shalt  }
0x60: {  	_ =	shalt  }
0x61: {  	_ =	shalt  }
0x62: {  	_ =	shalt  }
0x63: {  	_ =	shalt  }
0x64: {  	_ =	shalt  }
0x65: {  	_ =	shalt  }
0x66: {  	_ =	shalt  }
0x67: {  	_ =	shalt  }
0x68: {  	_ =	shalt  }
0x69: {  	_ =	shalt  }
0x6a: {  	_ =	shalt  }
0x6b: {  	_ =	shalt  }
0x6c: {  	_ =	shalt  }
0x6d: {  	_ =	shalt  }
0x6e: {  	_ =	shalt  }
0x6f: {  	_ =	shalt  }
0x70: {  	_ =	shalt  }
0x71: {  	_ =	shalt  }
0x72: {  	_ =	shalt  }
0x73: {  	_ =	shalt  }
0x74: {  	_ =	shalt  }
0x75: {  	_ =	shalt  }
0x76: {  	_ =	shalt  }
0x77: {  	_ =	shalt  }
0x78: {  	_ =	shalt  }
0x79: {  	_ =	shalt  }
0x7a: {  	_ =	shalt  }
0x7b: {  	_ =	shalt  }
0x7c: {  	_ =	shalt  }
0x7d: {  	_ =	shalt  }
0x7e: {  	_ =	shalt  }
0x7f: {  	_ =	shalt  }
0x80: {  	_ =	shalt  }
0x81: {  	_ =	shalt  }
0x82: {  	_ =	shalt  }
0x83: {  	_ =	shalt  }
0x84: {  	_ =	shalt  }
0x85: {  	_ =	shalt  }
0x86: {  	_ =	shalt  }
0x87: {  	_ =	shalt  }
.Lfunc_end0:
.L_simem_size_0:
called_computation_lowered:
.L_overlay_start_0:
0x88: {  	s2 =	sld [smem:$0x3FD9]  }
0x89: {  	s3 =	sld [smem:$0x3FFE];
	_ =	sdelay $0x1  }
0x8a: {  	s1 =	srdreg.scid  }
0x8b: {  	s0 =	sand.u32 $0x1, s1  }
0x8c: {  	s18 =	sshll.u32 s0, $0xA;
	s2 =	sadd.s32 s3, s2  }
0x8d: {  	s2 =	sadd.s32 s2, s18  }
0x8e: {  	[smem:$0x3FC6] =	sst s2  }
0x8f: {  	_ = 	snop  }
0x90: {  	s2 =	sld [smem:$0x3FC9]  }
0x91: {  	s19 =	sld [smem:$0x3FC8]  }
0x92: {  	s4 =	sld [smem:$0x3FD0];
	(tm) =	ssettm $0x1  }
0x93: {  	s5 =	sld [smem:$0x3FFB];
	_ =	sdelay $0x3  }
0x94: {  	_ =	strace s5  }
0x95: {  	s5 =	sld [smem:$0x3FFC];
	_ =	sdelay $0x3  }
0x96: {  	_ =	strace s5  }
0x97: {  	s5 =	sld [smem:$0x3FFD];
	_ =	sdelay $0x3  }
0x98: {  	_ =	strace s5  }
0x99: {  	_ =	strace $0x8FFFFFFF  }
0x9a: {  	s20 =	sld [smem:$0x3FDB];
	_ =	sdelay $0x1  }
0x9b: {  	s6 =	simm.s32 $_scs_section_size  }
0x9c: {  	s7 =	simm.s32 $_size__tile_overlayer_lowered;
	s8 =	simm.s32 $_tile_overlayer_lowered  }
0x9d: {  	s23 =	simm.s32 $0x1BFF;
	s22 =	sshll.u32 s8, $0x1;
	s5 =	sadd.s32 s6, s20  }
0x9e: {  	s9 =	simm.s32 $0x0;
	s21 =	sshll.u32 s7, $0x1;
	s7 =	sadd.s32 s22, s5  }
0x9f: {  	[timem:s9], [sflag:s23] =	dma.local [hbm:s7], s21  }
0xa0: {  	_ =	swait.ge [sflag:s23], s21  }
0xa1: {  	s6 =	ssub.s32 $0x0, s21;
	[sflag:s23] =	ssyncset.done $0x0  }
0xa2: {  	[sflag:s23] =	ssyncadd.s32 s6;
	_ =	sdelay $0x1  }
0xa3: {  	s24 =	simm.s32 $0x1B8B  }
0xa4: {  	_ =	swait.ge [sflag:s24], $0x1  }
0xa5: {  	[sflag:s24] =	ssyncset.done $0x0  }
0xa6: {  	s25 =	simm.s32 $0x1B8E;
	[sflag:s24] =	ssyncadd.s32 $0xFFFFFFFF  }
0xa7: {  	s26 =	simm.s32 $execute0_lowered;
	[smem:$0x3FD2] =	sst s25  }
0xa8: {  	s6 =	sshll.u32 s26, $0x1;
	_ =	strace $0x80000046;
	[dreg:$0x1] =	wrdreg $0xFFFFFFFF  }
0xa9: {  	s28 =	simm.s32 $_size_execute0_lowered;
	s5 =	sadd.s32 s5, s6;
	[dreg:$0x0] =	wrdreg $0x0  }
0xaa: {  	s6 =	sshll.u32 s28, $0x1;
	[dreg:$0x2] =	wrdreg s5  }
0xab: {  	[dreg:$0x3] =	wrdreg s6  }
0xac: {  	[dreg:$0x4] =	wrdreg $0xC0  }
0xad: {  	_ =	task [dreg:s9], $0x5FFFF  }
0xae: {  	[dreg:$0x1] =	wrdreg $0xFFFFFFFF  }
0xaf: {  	[dreg:$0x0] =	wrdreg $0x60  }
0xb0: {  	[dreg:$0x2] =	wrdreg s2  }
0xb1: {  	[dreg:$0x3] =	wrdreg s19  }
0xb2: {  	[dreg:$0x4] =	wrdreg s4  }
0xb3: {  	[dreg:$0x5] =	wrdreg $0x9  }
0xb4: {  	_ =	task.clear_ibuf [dreg:s9], $0x6FFFF;
	_ =	strace $0x90000046  }
0xb5: {  	s29 =	simm.s32 $0x9;
	_ =	strace $0x80000048  }
0xb6: {  	_ =	swait.ge [sflag:s29], $0x1  }
0xb7: {  	[sflag:s29] =	ssyncadd.s32 $0xFFFFFFFF  }
0xb8: {  	_ =	strace $0x90000048  }
0xb9: {  	_ =	sfence  }
0xba: {  	s30 =	sld [smem:$0x0];
	_ =	sdelay $0x2  }
0xbb: {  	s31 =	sshll.u32 s1, $0xD;
	s1 =	sshrl.u32 s1, $0x2  }
0xbc: {  	s3 =	sand.u32 $0x4000, s31;
	s1 =	sadd.s32 s1, s30  }
0xbd: {  	s0 =	sor.u32 s3, s0;
	s1 =	sshll.u32 s1, $0x11  }
0xbe: {  	s0 =	sor.u32 s1, s0  }
0xbf: {  	s0 =	sadd.s32 $0x8F2B, s0  }
0xc0: {  	[sflag:s0] =	ssyncadd.remote.s32 $0x1  }
0xc1: {  	_ =	sfence.sel $0xFFFF  }
0xc2: {  	[dreg:$0x0] =	wrdreg $0xFFFFFFFF;
	(pc) =	sbr.abs _section_cstart, $3  }
0xc3: {  	[dreg:$0x1] =	wrdreg $0xFFFFFFFF  }
0xc4: {  	_ =	task.clear_ibuf [dreg:s9], $0x2FFFF;
	_ =	strace $0x9FFFFFFF  }
0xc5: {  	(tm) =	ssettm $0x7FFFFFFF  }
tec
execute0_lowered:
.L_overlay_start_1:
0x0: {  	(tag) =	ssettag $0x1  }
0x1: {  	s3 =	rddreg [dreg:$0x0];
	s0 =	srdreg.scid  }
0x2: {  	s4 =	rddreg [dreg:$0x2];
	s1 =	stileid.u32;
	s0 =	sand.u32 $0x1, s0  }
0x3: {  	s5 =	simm.s32 $0x0;
	s1 =	sshll.u32 s1, $0xA;
	s2 =	sshll.u32 s0, $0x9  }
0x4: {  	[smem:$0x7FF] =	sst s5;
	s6 =	sor.u32 s2, s1  }
0x5: {  	_ =	strace $0x80000047;
	s28 =	sor.u32 $0x8, s6;
	[dreg:$0x4] =	wrdreg s6  }
0x6: {  	s2 =	sshll.u32 s6, $0x8;
	s30 =	sor.u32 $0x10, s6;
	[dreg:$0x9] =	wrdreg s28  }
0x7: {  	s25 =	sshrl.u32 s6, $0x3;
	s3 =	sadd.s32 s3, s2;
	[dreg:$0xb] =	wrdreg s30  }
0x8: {  	s0 =	ssub.s32 $0x2, s0;
	s26 =	sor.u32 $0x3, s25;
	[dreg:$0x5] =	wrdreg s3  }
0x9: {  	s24 =	sshrl.u32 s0, $0x1;
	s29 =	sor.u32 $0x4, s25;
	[dreg:$0x8] =	wrdreg s26  }
0xa: {  	s0 =	ssub.s32 s0, s24;
	s1 =	sor.u32 $0x5, s25;
	[dreg:$0xa] =	wrdreg s29  }
0xb: {  	s18 =	simm.s32 $0x800;
	s0 =	smax.u32 s0, $0x1;
	[dreg:$0xc] =	wrdreg s1  }
0xc: {  	s19 =	simm.s32 $0x4800;
	s7 =	sadd.s32 $0x800, s3;
	[dreg:$0xe] =	wrdreg s0  }
0xd: {  	s2 =	sadd.s32 s2, s4;
	s3 =	sadd.s32 $0x1000, s3;
	[dreg:$0x6] =	wrdreg s7  }
0xe: {  	s20 =	simm.s32 $0x8800;
	s31 =	sadd.s32 $0x1F800, s2;
	[dreg:$0x7] =	wrdreg s3  }
0xf: {  	s21 =	simm.s32 $0x1;
	s2 =	simm.s32 $0x0;
	[dreg:$0xd] =	wrdreg s31  }
.LBB2_1:
0x10: {  	[dreg:$0xf] =	wrdreg s2  }
0x11: {  	s0 =	rddreg [dreg:$0x1];
	s28 =	simm.s32 $0x7  }
0x12: {  	[tilespmem:s5], [sflag:$0x7] =	stream.linear.gather [hbm4b:s0+s5], $0x800, $0x38;
	[tilespmem:$0x18800] =	vst v63  }
0x13: {  	_ =	swait.ge [sflag:s28], $0x800  }
0x14: {  	[sflag:s28] =	ssyncset.done $0x0  }
0x15: {  	s29 =	rddreg [dreg:$0x5];
	[sflag:s28] =	ssyncadd.s32 $0xFFFFF800  }
0x16: {  	[tilespmem:s18], [sflag:$0x1] =	stream.linear.gather [hbm4b:s29+s5], $0x4000, $0x38;
	[tilespmem:$0x18800] =	vst v63  }
0x17: {  	s30 =	rddreg [dreg:$0x6]  }
0x18: {  	[tilespmem:s19], [sflag:$0x2] =	stream.linear.gather [hbm4b:s30+s5], $0x4000, $0x38;
	[tilespmem:$0x18800] =	vst v63  }
0x19: {  	s0 =	simm.s32 $0x0;
	s31 =	rddreg [dreg:$0x7]  }
0x1a: {  	[tilespmem:s20], [sflag:$0x3] =	stream.linear.gather [hbm4b:s31+s5], $0x4000, $0x38;
	[tilespmem:$0x18800] =	vst v63  }
.LBB2_2:
0x1b: {  	_ =	swait.ge [sflag:s21], $0x4000  }
0x1c: {  	p0 =	seq.s32 s0, $0x0;
	[sflag:s21] =	ssyncset.done $0x0  }
0x1d: {  	s2 =	simm.s32 $0x0;
	s1 =	simm.s32 @!p0 $0x4;
	[sflag:s21] =	ssyncadd.s32 $0xFFFFC000  }
0x1e: {  	s3 =	sand.u32 $0x40, s2;
	_ =	swait.ge @!p0 [sflag:s1], $0x4000  }
0x1f: {  	s4 =	sand.u32 $0x780, s2;
	s6 =	sor.u32 $0x30, s3;
	[sflag:s1] =	ssyncset.done @!p0 $0x0  }
0x20: {  	s23 =	sor.u32 s6, s4;
	[sflag:s1] =	ssyncadd.s32 @!p0 $0xFFFFC000  }
0x21: {  	v0 =	vld [tilespmem:s23+$0x0]  }
0x22: {  	s24 =	sor.u32 $0x10, s3;
	v1 =	vld [tilespmem:s2+$0x0]  }
0x23: {  	s7 =	sor.u32 $0x20, s3;
	s8 =	sor.u32 s24, s4  }
0x24: {  	s4 =	sor.u32 s7, s4;
	v2 =	vld [tilespmem:s8+$0x0]  }
0x25: {  	v3 =	vld [tilespmem:s4+$0x0]  }
0x26: {  	v4 =	vshll.u32 v0, $0x3  }
0x27: {  	v5 =	vshll.u32 v1, $0x3;
	v0 =	vand.u32 $0x7F, v0;
	v4 =	vand.u32 $0xFFFFFC00, v4  }
0x28: {  	v1 =	vand.u32 $0x7F, v1;
	v6 =	vand.u32 $0xFFFFFC00, v5;
	v5 =	vor.u32 v0, v4  }
0x29: {  	v0 =	vor.u32 v1, v6;
	v1 =	vshll.u32 v2, $0x3  }
0x2a: {  	v4 =	vshll.u32 v3, $0x3;
	v2 =	vand.u32 $0x7F, v2;
	v1 =	vand.u32 $0xFFFFFC00, v1  }
0x2b: {  	v6 =	vand.u32 $0xFFFFFC00, v4;
	v4 =	vor.u32 v2, v1;
	v1 =	vand.u32 $0x7F, v3  }
0x2c: {  	v3 =	vor.u32 v1, v6  }
0x2d: {  	v1 =	vld.idx.msk [tilespmem:v5+s18+$0x0], $0xffff  }
0x2e: {  	v6 =	vor.u32 $0x80, v5;
	v2 =	vld.idx.msk [tilespmem:v0+s18+$0x0], $0xffff  }
0x2f: {  	s2 =	sand.u32 $0x3C00, s2;
	v7 =	vor.u32 $0x80, v0  }
0x30: {  	s2 =	sadd.s32 $0xC800, s2;
	v8 =	vld.idx.msk [tilespmem:v4+s18+$0x0], $0xffff  }
0x31: {  	s25 =	sor.u32 s6, s2;
	v9 =	vor.u32 $0x80, v4;
	v10 =	vld.idx.msk [tilespmem:v3+s18+$0x0], $0xffff  }
0x32: {  	s26 =	sor.u32 s3, s2;
	v11 =	vor.u32 $0x80, v3;
	[tilespmem:s25+$0x0] =	vst v1  }
0x33: {  	[tilespmem:s26+$0x0] =	vst v2;
	v1 =	vld.idx.msk [tilespmem:v6+s18+$0x0], $0xffff  }
0x34: {  	s9 =	sor.u32 s24, s2;
	v2 =	vld.idx.msk [tilespmem:v7+s18+$0x0], $0xffff;
	v6 =	vor.u32 $0x100, v5  }
0x35: {  	s1 =	sor.u32 s7, s2;
	v7 =	vor.u32 $0x100, v0;
	[tilespmem:s9+$0x0] =	vst v8  }
0x36: {  	v8 =	vld.idx.msk [tilespmem:v9+s18+$0x0], $0xffff;
	[tilespmem:s1+$0x0] =	vst v10  }
0x37: {  	v9 =	vor.u32 $0x100, v4;
	v10 =	vld.idx.msk [tilespmem:v11+s18+$0x0], $0xffff  }
0x38: {  	v11 =	vor.u32 $0x100, v3;
	[tilespmem:s25+$0x80] =	vst v1  }
0x39: {  	[tilespmem:s26+$0x80] =	vst v2;
	v1 =	vld.idx.msk [tilespmem:v6+s18+$0x0], $0xffff  }
0x3a: {  	v2 =	vld.idx.msk [tilespmem:v7+s18+$0x0], $0xffff;
	v6 =	vor.u32 $0x180, v5  }
0x3b: {  	v7 =	vor.u32 $0x180, v0;
	[tilespmem:s9+$0x80] =	vst v8  }
0x3c: {  	v8 =	vld.idx.msk [tilespmem:v9+s18+$0x0], $0xffff;
	[tilespmem:s1+$0x80] =	vst v10  }
0x3d: {  	s3 =	simm.s32 $0x40;
	v9 =	vor.u32 $0x180, v4;
	v10 =	vld.idx.msk [tilespmem:v11+s18+$0x0], $0xffff  }
0x3e: {  	s2 =	sand.u32 $0x40, s3;
	v11 =	vld [tilespmem:s3+$0x0];
	[tilespmem:s25+$0x100] =	vst v1  }
0x3f: {  	s10 =	sand.u32 $0x780, s3;
	s11 =	sor.u32 $0x30, s2;
	[tilespmem:s26+$0x100] =	vst v2;
	v1 =	vld.idx.msk [tilespmem:v6+s18+$0x0], $0xffff  }
0x40: {  	s16 =	sor.u32 s11, s10;
	v2 =	vor.u32 $0x180, v3;
	v6 =	vld.idx.msk [tilespmem:v7+s18+$0x0], $0xffff  }
0x41: {  	s17 =	sor.u32 $0x10, s2;
	v7 =	vor.u32 $0x200, v5;
	[tilespmem:s9+$0x100] =	vst v8;
	v8 =	vld [tilespmem:s16+$0x0]  }
0x42: {  	s22 =	sor.u32 $0x20, s2;
	s12 =	sor.u32 s17, s10;
	v9 =	vld.idx.msk [tilespmem:v9+s18+$0x0], $0xffff  }
0x43: {  	s10 =	sor.u32 s22, s10;
	v13 =	vld [tilespmem:s12+$0x0];
	v12 =	vor.u32 $0x200, v4;
	v14 =	vshll.u32 v11, $0x3  }
0x44: {  	v15 =	vld [tilespmem:s10+$0x0];
	[tilespmem:s1+$0x100] =	vst v10;
	v10 =	vor.u32 $0x200, v0;
	v11 =	vand.u32 $0x7F, v11;
	v14 =	vand.u32 $0xFFFFFC00, v14  }
0x45: {  	p1 =	por $0x0, $0x0;
	s8 =	simm.s32 $0x1;
	v16 =	vld.idx.msk [tilespmem:v2+s18+$0x0], $0xffff;
	[tilespmem:s25+$0x180] =	vst v1;
	v1 =	vor.u32 v11, v14  }
0x46: {  	s8 =	simm.s32 @!p1 $0x0;
	v11 =	vor.u32 $0x200, v3;
	v7 =	vld.idx.msk [tilespmem:v7+s18+$0x0], $0xffff;
	v2 =	vshll.u32 v8, $0x3  }
0x47: {  	s8 =	sshll.u32 s8, $0x6;
	v8 =	vand.u32 $0x7F, v8;
	[tilespmem:s9+$0x180] =	vst v9;
	v2 =	vand.u32 $0xFFFFFC00, v2;
	v9 =	vor.u32 $0x280, v5  }
0x48: {  	s6 =	sadd.s32 $0x0, s8;
	v14 =	vor.u32 $0x280, v4;
	[tilespmem:s26+$0x180] =	vst v6;
	v6 =	vld.idx.msk [tilespmem:v12+s18+$0x0], $0xffff;
	v12 =	vshll.u32 v13, $0x3;
	v2 =	vor.u32 v8, v2  }
0x49: {  	s9 =	sadd.s32 $0x30, s6;
	v8 =	vld.idx.msk [tilespmem:v10+s18+$0x0], $0xffff;
	v10 =	vshll.u32 v15, $0x3;
	v13 =	vand.u32 $0x7F, v13;
	v12 =	vand.u32 $0xFFFFFC00, v12  }
0x4a: {  	s23 =	sor.u32 $0x200, s9;
	v10 =	vand.u32 $0xFFFFFC00, v10;
	[tilespmem:s1+$0x180] =	vst v16;
	v17 =	vld.idx.msk [tilespmem:v1+s18+$0x0], $0xffff;
	v21 =	vor.u32 v13, v12;
	v12 =	vand.u32 $0x7F, v15  }
0x4b: {  	s10 =	sadd.s32 $0x10, s6;
	v11 =	vld.idx.msk [tilespmem:v11+s18+$0x0], $0xffff;
	v10 =	vor.u32 v12, v10;
	[tilespmem:s23+$0xC800] =	vst v7  }
0x4c: {  	s24 =	sor.u32 $0x200, s10;
	v7 =	vor.u32 $0x280, v0;
	v9 =	vld.idx.msk [tilespmem:v9+s18+$0x0], $0xffff  }
0x4d: {  	s8 =	simm.s32 $0x200;
	s25 =	sor.u32 $0x200, s6;
	v12 =	vor.u32 $0x280, v3;
	v13 =	vld.idx.msk [tilespmem:v2+s18+$0x0], $0xffff;
	[tilespmem:s24+$0xC800] =	vst v6  }
0x4e: {  	s13 =	sadd.s32 $0x20, s6;
	s14 =	sand.u32 $0x3C00, s8;
	[tilespmem:s25+$0xC800] =	vst v8;
	v8 =	vor.u32 $0x80, v1;
	v6 =	vld.idx.msk [tilespmem:v14+s18+$0x0], $0xffff  }
0x4f: {  	s4 =	sadd.s32 $0xC800, s14;
	s26 =	sor.u32 $0x200, s13;
	v14 =	vor.u32 $0x300, v5;
	v15 =	vld.idx.msk [tilespmem:v21+s18+$0x0], $0xffff  }
0x50: {  	s31 =	sor.u32 s2, s4;
	v16 =	vor.u32 $0x80, v2;
	[tilespmem:s26+$0xC800] =	vst v11;
	v18 =	vld.idx.msk [tilespmem:v10+s18+$0x0], $0xffff  }
0x51: {  	s15 =	sor.u32 $0x280, s9;
	v19 =	vor.u32 $0x80, v21;
	[tilespmem:s31+$0x0] =	vst v17;
	v22 =	vld.idx.msk [tilespmem:v7+s18+$0x0], $0xffff  }
0x52: {  	s28 =	sor.u32 s11, s4;
	v7 =	vor.u32 $0x80, v10;
	v11 =	vld.idx.msk [tilespmem:v12+s18+$0x0], $0xffff;
	[tilespmem:s15+$0xC800] =	vst v9  }
0x53: {  	s16 =	sor.u32 $0x280, s10;
	v9 =	vor.u32 $0x300, v4;
	[tilespmem:s28+$0x0] =	vst v13;
	v8 =	vld.idx.msk [tilespmem:v8+s18+$0x0], $0xffff  }
0x54: {  	s24 =	sor.u32 s17, s4;
	v13 =	vor.u32 $0x300, v3;
	v12 =	vld.idx.msk [tilespmem:v14+s18+$0x0], $0xffff;
	[tilespmem:s16+$0xC800] =	vst v6  }
0x55: {  	s7 =	sor.u32 s22, s4;
	v5 =	vor.u32 $0x380, v5;
	v16 =	vld.idx.msk [tilespmem:v16+s18+$0x0], $0xffff;
	[tilespmem:s24+$0x0] =	vst v15  }
0x56: {  	s17 =	sor.u32 $0x280, s13;
	v17 =	vor.u32 $0x100, v2;
	v15 =	vld.idx.msk [tilespmem:v19+s18+$0x0], $0xffff;
	[tilespmem:s7+$0x0] =	vst v18  }
0x57: {  	s23 =	sor.u32 $0x280, s6;
	v19 =	vor.u32 $0x100, v1;
	[tilespmem:s17+$0xC800] =	vst v11;
	v7 =	vld.idx.msk [tilespmem:v7+s18+$0x0], $0xffff  }
0x58: {  	s22 =	sor.u32 $0x300, s9;
	v6 =	vor.u32 $0x100, v21;
	[tilespmem:s23+$0xC800] =	vst v22;
	v23 =	vld.idx.msk [tilespmem:v9+s18+$0x0], $0xffff  }
0x59: {  	v20 =	vor.u32 $0x100, v10;
	v14 =	vld.idx.msk [tilespmem:v13+s18+$0x0], $0xffff;
	[tilespmem:s22+$0xC800] =	vst v12  }
0x5a: {  	[tilespmem:s28+$0x80] =	vst v16;
	v16 =	vor.u32 $0x300, v0;
	v24 =	vld.idx.msk [tilespmem:v5+s18+$0x0], $0xffff  }
0x5b: {  	v25 =	vor.u32 $0x380, v4;
	[tilespmem:s31+$0x80] =	vst v8;
	v18 =	vld.idx.msk [tilespmem:v17+s18+$0x0], $0xffff  }
0x5c: {  	v4 =	vor.u32 $0x380, v21;
	v17 =	vld.idx.msk [tilespmem:v19+s18+$0x0], $0xffff;
	[tilespmem:s24+$0x80] =	vst v15  }
0x5d: {  	s29 =	sor.u32 $0x300, s6;
	v11 =	vor.u32 $0x200, v21;
	v22 =	vor.u32 $0x180, v2;
	v13 =	vor.u32 $0x180, v21;
	v19 =	vld.idx.msk [tilespmem:v6+s18+$0x0], $0xffff;
	[tilespmem:s7+$0x80] =	vst v7  }
0x5e: {  	s2 =	smul.u32 $0x3, s0;
	s12 =	sor.u32 $0x300, s13;
	s25 =	sor.u32 $0x300, s10;
	v8 =	vor.u32 $0x280, v21;
	v6 =	vor.u32 $0x300, v21;
	v21 =	vor.u32 $0x180, v1;
	v20 =	vld.idx.msk [tilespmem:v20+s18+$0x0], $0xffff  }
0x5f: {  	s30 =	sor.u32 $0x380, s10;
	s26 =	sor.u32 $0x380, s9;
	s9 =	sor.u32 $0x380, s6;
	v3 =	vor.u32 $0x380, v3;
	v9 =	vor.u32 $0x200, v10;
	v12 =	vor.u32 $0x180, v10;
	[tilespmem:s25+$0xC800] =	vst v23;
	v15 =	vld.idx.msk [tilespmem:v16+s18+$0x0], $0xffff  }
0x60: {  	s15 =	sor.u32 $0x380, s13;
	s16 =	simm.s32 $0x4;
	s17 =	simm.s32 $0x80;
	v5 =	vor.u32 $0x300, v10;
	v7 =	vor.u32 $0x280, v10;
	v10 =	vor.u32 $0x380, v10;
	v16 =	vld.idx.msk [tilespmem:v25+s18+$0x0], $0xffff;
	[tilespmem:s26+$0xC800] =	vst v24  }
.LBB2_3:
0x61: {  	v23 =	vld [tilespmem:s17+$0x0];
	[tilespmem:s28+$0x100] =	vst v18;
	s3 =	sadd.s32 $0x40, s3  }
0x62: {  	s16 =	sadd.s32 $0x4, s16;
	s22 =	sand.u32 $0x40, s3;
	[tilespmem:s31+$0x100] =	vst v17;
	v17 =	vld.idx.msk [tilespmem:v22+s18+$0x0], $0xffff  }
0x63: {  	s1 =	sand.u32 $0x780, s3;
	p2 =	slt.u32 s16, $0x7C;
	s14 =	sor.u32 $0x30, s22;
	v18 =	vld.idx.msk [tilespmem:v21+s18+$0x0], $0xffff;
	[tilespmem:s24+$0x100] =	vst v19  }
0x64: {  	s10 =	sor.u32 $0x10, s22;
	s6 =	sor.u32 $0x20, s22;
	v19 =	vor.u32 $0x200, v2;
	s4 =	sor.u32 s14, s1;
	v13 =	vld.idx.msk [tilespmem:v13+s18+$0x0], $0xffff;
	[tilespmem:s7+$0x100] =	vst v20  }
0x65: {  	v21 =	vor.u32 $0x200, v1;
	s11 =	sor.u32 s10, s1;
	s1 =	sor.u32 s6, s1;
	v20 =	vld [tilespmem:s4+$0x0];
	[tilespmem:s12+$0xC800] =	vst v14  }
0x66: {  	v14 =	vld [tilespmem:s11+$0x0];
	[tilespmem:s29+$0xC800] =	vst v15  }
0x67: {  	v15 =	vshll.u32 v23, $0x3;
	v22 =	vld [tilespmem:s1+$0x0];
	[tilespmem:s30+$0xC800] =	vst v16  }
0x68: {  	v16 =	vand.u32 $0x7F, v23;
	v15 =	vand.u32 $0xFFFFFC00, v15;
	v12 =	vld.idx.msk [tilespmem:v12+s18+$0x0], $0xffff;
	[tilespmem:s28+$0x180] =	vst v17;
	v17 =	vor.u32 $0x380, v0;
	v0 =	vmovc v1  }
0x69: {  	p1 =	por !p1, !p1;
	s1 =	simm.s32 $0x1;
	v1 =	vor.u32 v16, v15;
	[tilespmem:s31+$0x180] =	vst v18;
	v15 =	vld.idx.msk [tilespmem:v19+s18+$0x0], $0xffff  }
0x6a: {  	s1 =	simm.s32 @!p1 $0x0;
	v16 =	vshll.u32 v20, $0x3;
	v18 =	vld.idx.msk [tilespmem:v21+s18+$0x0], $0xffff;
	[tilespmem:s24+$0x180] =	vst v13  }
0x6b: {  	s1 =	sshll.u32 s1, $0x6;
	v13 =	vand.u32 $0x7F, v20;
	v16 =	vand.u32 $0xFFFFFC00, v16;
	v19 =	vld.idx.msk [tilespmem:v11+s18+$0x0], $0xffff;
	v11 =	vor.u32 $0x280, v2  }
0x6c: {  	s23 =	sadd.s32 s1, s8;
	v20 =	vshll.u32 v14, $0x3;
	v21 =	vshll.u32 v22, $0x3;
	v16 =	vor.u32 v13, v16;
	v23 =	vld.idx.msk [tilespmem:v3+s18+$0x0], $0xffff;
	v3 =	vmovc v10  }
0x6d: {  	s24 =	sadd.s32 $0x10, s23;
	s28 =	sadd.s32 $0x20, s23;
	s11 =	sadd.s32 $0x30, s23;
	v10 =	vand.u32 $0x7F, v14;
	v13 =	vand.u32 $0xFFFFFC00, v20;
	v14 =	vand.u32 $0xFFFFFC00, v21;
	v17 =	vld.idx.msk [tilespmem:v17+s18+$0x0], $0xffff  }
0x6e: {  	s30 =	sor.u32 $0x200, s24;
	s1 =	sor.u32 $0x200, s11;
	v10 =	vor.u32 v10, v13;
	v13 =	vand.u32 $0x7F, v22;
	v21 =	vor.u32 $0x280, v0;
	v20 =	vld.idx.msk [tilespmem:v1+s18+$0x0], $0xffff;
	[tilespmem:s7+$0x180] =	vst v12;
	s7 =	sor.u32 $0x200, s28  }
0x6f: {  	s12 =	sor.u32 $0x200, s23;
	s4 =	sor.u32 $0x280, s24;
	s26 =	sor.u32 $0x280, s28;
	v22 =	vor.u32 $0x80, v10;
	v24 =	vor.u32 $0x100, v10;
	v14 =	vor.u32 v13, v14;
	v25 =	vld.idx.msk [tilespmem:v9+s18+$0x0], $0xffff;
	[tilespmem:s1+$0xC800] =	vst v15  }
0x70: {  	s13 =	sor.u32 $0x300, s24;
	v13 =	vor.u32 $0x180, v10;
	v15 =	vor.u32 $0x80, v14;
	v26 =	vor.u32 $0x100, v14;
	s1 =	sor.u32 $0x280, s23;
	[tilespmem:s12+$0xC800] =	vst v18;
	s12 =	sor.u32 $0x300, s28;
	v18 =	vld.idx.msk [tilespmem:v11+s18+$0x0], $0xffff  }
0x71: {  	s29 =	sor.u32 $0x300, s23;
	v12 =	vor.u32 $0x180, v14;
	v9 =	vor.u32 $0x200, v14;
	v11 =	vor.u32 $0x200, v10;
	v27 =	vld.idx.msk [tilespmem:v16+s18+$0x0], $0xffff;
	[tilespmem:s30+$0xC800] =	vst v19;
	s30 =	sor.u32 $0x380, s24;
	s24 =	sor.u32 $0x380, s28  }
0x72: {  	v29 =	vor.u32 $0x300, v2;
	s23 =	sor.u32 $0x380, s23;
	v19 =	vor.u32 $0x280, v14;
	v28 =	vld.idx.msk [tilespmem:v8+s18+$0x0], $0xffff;
	v8 =	vor.u32 $0x280, v10;
	[tilespmem:s15+$0xC800] =	vst v23;
	s15 =	smov.u32 s24  }
0x73: {  	s8 =	sadd.s32 $0x200, s8;
	v32 =	vor.u32 $0x80, v16;
	v30 =	vor.u32 $0x300, v10;
	v31 =	vor.u32 $0x300, v14;
	v23 =	vld.idx.msk [tilespmem:v10+s18+$0x0], $0xffff;
	[tilespmem:s9+$0xC800] =	vst v17;
	s9 =	smov.u32 s23  }
0x74: {  	v33 =	vor.u32 $0x380, v10;
	s23 =	sand.u32 $0x3C00, s8;
	v17 =	vor.u32 $0x80, v1;
	v10 =	vor.u32 $0x380, v14;
	v34 =	vld.idx.msk [tilespmem:v14+s18+$0x0], $0xffff  }
0x75: {  	s23 =	sadd.s32 $0xC800, s23;
	v35 =	vld.idx.msk [tilespmem:v21+s18+$0x0], $0xffff;
	[tilespmem:s7+$0xC800] =	vst v25;
	s7 =	sor.u32 $0x280, s11  }
0x76: {  	s31 =	sor.u32 s22, s23;
	s24 =	sor.u32 s10, s23;
	s28 =	sor.u32 s14, s23;
	v14 =	vld.idx.msk [tilespmem:v7+s18+$0x0], $0xffff;
	[tilespmem:s7+$0xC800] =	vst v18;
	v7 =	vmov v19  }
0x77: {  	s7 =	sor.u32 s6, s23;
	[tilespmem:s28+$0x0] =	vst v27;
	v18 =	vld.idx.msk [tilespmem:v29+s18+$0x0], $0xffff  }
0x78: {  	[tilespmem:s31+$0x0] =	vst v20;
	v19 =	vld.idx.msk [tilespmem:v32+s18+$0x0], $0xffff  }
0x79: {  	v20 =	vor.u32 $0x380, v2;
	v2 =	vmov v16;
	v17 =	vld.idx.msk [tilespmem:v17+s18+$0x0], $0xffff;
	[tilespmem:s24+$0x0] =	vst v23  }
0x7a: {  	v21 =	vor.u32 $0x100, v2;
	v16 =	vld.idx.msk [tilespmem:v22+s18+$0x0], $0xffff;
	[tilespmem:s7+$0x0] =	vst v34  }
0x7b: {  	v22 =	vor.u32 $0x100, v1;
	v15 =	vld.idx.msk [tilespmem:v15+s18+$0x0], $0xffff;
	[tilespmem:s4+$0xC800] =	vst v28  }
0x7c: {  	s4 =	sor.u32 $0x300, s11;
	v23 =	vld.idx.msk [tilespmem:v6+s18+$0x0], $0xffff;
	[tilespmem:s26+$0xC800] =	vst v14;
	v6 =	vmov v30  }
0x7d: {  	v14 =	vld.idx.msk [tilespmem:v5+s18+$0x0], $0xffff;
	[tilespmem:s4+$0xC800] =	vst v18;
	v5 =	vmov v31  }
0x7e: {  	v25 =	vor.u32 $0x300, v0;
	[tilespmem:s28+$0x80] =	vst v19;
	v27 =	vld.idx.msk [tilespmem:v20+s18+$0x0], $0xffff  }
0x7f: {  	[tilespmem:s31+$0x80] =	vst v17;
	v18 =	vld.idx.msk [tilespmem:v21+s18+$0x0], $0xffff  }
.Ltmp0:
0x80: {  	v17 =	vld.idx.msk [tilespmem:v22+s18+$0x0], $0xffff;
	[tilespmem:s24+$0x80] =	vst v16;
	(pc) =	sbr.rel @p2 .LBB2_3-.Ltmp0, $4  }
0x81: {  	v22 =	vor.u32 $0x180, v2;
	v19 =	vld.idx.msk [tilespmem:v24+s18+$0x0], $0xffff;
	[tilespmem:s7+$0x80] =	vst v15  }
0x82: {  	v21 =	vor.u32 $0x180, v1;
	v20 =	vld.idx.msk [tilespmem:v26+s18+$0x0], $0xffff;
	[tilespmem:s1+$0xC800] =	vst v35  }
0x83: {  	s1 =	sor.u32 $0x380, s11;
	v15 =	vld.idx.msk [tilespmem:v25+s18+$0x0], $0xffff;
	[tilespmem:s13+$0xC800] =	vst v23  }
0x84: {  	s17 =	sadd.s32 $0x40, s17;
	v16 =	vld.idx.msk [tilespmem:v4+s18+$0x0], $0xffff;
	[tilespmem:s1+$0xC800] =	vst v27;
	v4 =	vmov v33  }
0x85: {  	_ =	sdelay $0x2  }
0x86: {  	[tilespmem:s28+$0x100] =	vst v18  }
0x87: {  	v18 =	vld.idx.msk [tilespmem:v22+s18+$0x0], $0xffff;
	[tilespmem:s24+$0x100] =	vst v19  }
0x88: {  	v19 =	vor.u32 $0x200, v2;
	v13 =	vld.idx.msk [tilespmem:v13+s18+$0x0], $0xffff  }
0x89: {  	[tilespmem:s7+$0x100] =	vst v20  }
0x8a: {  	[tilespmem:s31+$0x100] =	vst v17;
	v12 =	vld.idx.msk [tilespmem:v12+s18+$0x0], $0xffff  }
0x8b: {  	v17 =	vld.idx.msk [tilespmem:v21+s18+$0x0], $0xffff  }
0x8c: {  	p1 =	por !p1, !p1;
	s1 =	simm.s32 $0x1;
	v20 =	vor.u32 $0x200, v1;
	[tilespmem:s28+$0x180] =	vst v18  }
0x8d: {  	s1 =	simm.s32 @!p1 $0x0;
	v18 =	vld.idx.msk [tilespmem:v19+s18+$0x0], $0xffff;
	[tilespmem:s24+$0x180] =	vst v13  }
0x8e: {  	s1 =	sshll.u32 s1, $0x6;
	v13 =	vor.u32 $0x280, v2;
	v11 =	vld.idx.msk [tilespmem:v11+s18+$0x0], $0xffff  }
0x8f: {  	s1 =	sadd.s32 s1, s8;
	[tilespmem:s7+$0x180] =	vst v12  }
0x90: {  	s3 =	sadd.s32 $0x30, s1;
	[tilespmem:s31+$0x180] =	vst v17;
	v9 =	vld.idx.msk [tilespmem:v9+s18+$0x0], $0xffff  }
0x91: {  	s4 =	sadd.s32 $0x10, s1;
	s6 =	sor.u32 $0x200, s3;
	v12 =	vld.idx.msk [tilespmem:v20+s18+$0x0], $0xffff  }
0x92: {  	s26 =	sor.u32 $0x200, s4;
	v17 =	vor.u32 $0x280, v1;
	[tilespmem:s6+$0xC800] =	vst v18  }
0x93: {  	s7 =	sadd.s32 $0x20, s1;
	v13 =	vld.idx.msk [tilespmem:v13+s18+$0x0], $0xffff;
	[tilespmem:s26+$0xC800] =	vst v11  }
0x94: {  	s10 =	sor.u32 $0x200, s7;
	v11 =	vor.u32 $0x300, v2;
	v8 =	vld.idx.msk [tilespmem:v8+s18+$0x0], $0xffff  }
0x95: {  	s11 =	sor.u32 $0x200, s1;
	[tilespmem:s10+$0xC800] =	vst v9  }
0x96: {  	[tilespmem:s11+$0xC800] =	vst v12;
	v7 =	vld.idx.msk [tilespmem:v7+s18+$0x0], $0xffff  }
0x97: {  	[tilespmem:s12+$0xC800] =	vst v14;
	s12 =	sor.u32 $0x280, s3;
	v9 =	vld.idx.msk [tilespmem:v17+s18+$0x0], $0xffff  }
0x98: {  	s13 =	sor.u32 $0x280, s4;
	v12 =	vor.u32 $0x300, v1;
	[tilespmem:s12+$0xC800] =	vst v13  }
0x99: {  	v0 =	vor.u32 $0x380, v0;
	v11 =	vld.idx.msk [tilespmem:v11+s18+$0x0], $0xffff;
	[tilespmem:s13+$0xC800] =	vst v8  }
0x9a: {  	[tilespmem:s29+$0xC800] =	vst v15;
	s14 =	sor.u32 $0x280, s7;
	v2 =	vor.u32 $0x380, v2;
	v6 =	vld.idx.msk [tilespmem:v6+s18+$0x0], $0xffff  }
0x9b: {  	v3 =	vld.idx.msk [tilespmem:v3+s18+$0x0], $0xffff;
	s16 =	sor.u32 $0x280, s1;
	[tilespmem:s14+$0xC800] =	vst v7  }
0x9c: {  	[tilespmem:s16+$0xC800] =	vst v9;
	v5 =	vld.idx.msk [tilespmem:v5+s18+$0x0], $0xffff  }
0x9d: {  	[tilespmem:s30+$0xC800] =	vst v16;
	s17 =	sor.u32 $0x300, s3;
	v7 =	vld.idx.msk [tilespmem:v12+s18+$0x0], $0xffff  }
0x9e: {  	v0 =	vld.idx.msk [tilespmem:v0+s18+$0x0], $0xffff;
	s22 =	sor.u32 $0x300, s4;
	v1 =	vor.u32 $0x380, v1;
	[tilespmem:s17+$0xC800] =	vst v11  }
0x9f: {  	v2 =	vld.idx.msk [tilespmem:v2+s18+$0x0], $0xffff;
	[tilespmem:s22+$0xC800] =	vst v6  }
0xa0: {  	[tilespmem:s15+$0xC800] =	vst v3;
	s23 =	sor.u32 $0x300, s7;
	v4 =	vld.idx.msk [tilespmem:v4+s18+$0x0], $0xffff  }
0xa1: {  	s24 =	sor.u32 $0x300, s1;
	[tilespmem:s23+$0xC800] =	vst v5  }
0xa2: {  	[tilespmem:s24+$0xC800] =	vst v7;
	v5 =	vld.idx.msk [tilespmem:v10+s18+$0x0], $0xffff  }
0xa3: {  	s25 =	sor.u32 $0x380, s3;
	[tilespmem:s9+$0xC800] =	vst v0;
	v1 =	vld.idx.msk [tilespmem:v1+s18+$0x0], $0xffff  }
0xa4: {  	s4 =	sor.u32 $0x380, s4;
	[tilespmem:s25+$0xC800] =	vst v2  }
0xa5: {  	s3 =	smul.u32 $0x18, s0;
	[tilespmem:s4+$0xC800] =	vst v4  }
0xa6: {  	s26 =	sor.u32 $0x380, s7;
	s4 =	rddreg [dreg:$0x4]  }
0xa7: {  	s1 =	sor.u32 $0x380, s1;
	[tilespmem:s26+$0xC800] =	vst v5;
	s4 =	sadd.s32 s4, s3  }
0xa8: {  	s7 =	rddreg [dreg:$0x2];
	[tilespmem:s1+$0xC800] =	vst v1;
	s4 =	sshll.u32 s4, $0x8  }
0xa9: {  	s8 =	simm.s32 $0xC800;
	s9 =	rddreg [dreg:$0x8];
	s1 =	sadd.s32 s7, s4  }
0xaa: {  	[hbm4b:s1+s5] =	stream.linear.scatter [tilespmem:s8], [sflag:$0x4], $0x4000, $0x38;
	[tilespmem:$0x18800] =	vst v63  }
0xab: {  	s1 =	sadd.s32 s2, s9  }
0xac: {  	s10 =	rddreg [dreg:$0x0];
	s1 =	sshll.u32 s1, $0xB  }
0xad: {  	s11 =	simm.s32 $0x2;
	s1 =	sadd.s32 s10, s1  }
0xae: {  	[tilespmem:s18], [sflag:$0x1] =	stream.linear.gather [hbm4b:s1+s5], $0x4000, $0x38;
	[tilespmem:$0x18800] =	vst v63  }
0xaf: {  	_ =	swait.ge [sflag:s11], $0x4000  }
0xb0: {  	[sflag:s11] =	ssyncset.done $0x0  }
0xb1: {  	s12 =	simm.s32 $0x0;
	s1 =	simm.s32 @!p0 $0x5;
	[sflag:s11] =	ssyncadd.s32 $0xFFFFC000  }
0xb2: {  	s13 =	sand.u32 $0x40, s12;
	_ =	swait.ge @!p0 [sflag:s1], $0x4000  }
0xb3: {  	s15 =	sand.u32 $0x780, s12;
	s16 =	sor.u32 $0x30, s13;
	[sflag:s1] =	ssyncset.done @!p0 $0x0  }
0xb4: {  	s17 =	sor.u32 s16, s15;
	[sflag:s1] =	ssyncadd.s32 @!p0 $0xFFFFC000  }
0xb5: {  	v0 =	vld [tilespmem:s17+$0x0]  }
0xb6: {  	s22 =	sor.u32 $0x10, s13;
	v1 =	vld [tilespmem:s12+$0x0]  }
0xb7: {  	s23 =	sor.u32 s22, s15;
	s10 =	sor.u32 $0x20, s13  }
0xb8: {  	s7 =	sor.u32 s10, s15;
	v2 =	vld [tilespmem:s23+$0x0]  }
0xb9: {  	v3 =	vld [tilespmem:s7+$0x0]  }
0xba: {  	v4 =	vshll.u32 v0, $0x3  }
0xbb: {  	v5 =	vshll.u32 v1, $0x3;
	v0 =	vand.u32 $0x7F, v0;
	v4 =	vand.u32 $0xFFFFFC00, v4  }
0xbc: {  	v1 =	vand.u32 $0x7F, v1;
	v6 =	vand.u32 $0xFFFFFC00, v5;
	v5 =	vor.u32 v0, v4  }
0xbd: {  	v0 =	vor.u32 v1, v6;
	v1 =	vshll.u32 v2, $0x3  }
0xbe: {  	v4 =	vshll.u32 v3, $0x3;
	v2 =	vand.u32 $0x7F, v2;
	v1 =	vand.u32 $0xFFFFFC00, v1  }
0xbf: {  	v6 =	vand.u32 $0xFFFFFC00, v4;
	v4 =	vor.u32 v2, v1;
	v1 =	vand.u32 $0x7F, v3  }
0xc0: {  	v3 =	vor.u32 v1, v6  }
0xc1: {  	v1 =	vld.idx.msk [tilespmem:v5+s19+$0x0], $0xffff  }
0xc2: {  	v6 =	vor.u32 $0x80, v5;
	v2 =	vld.idx.msk [tilespmem:v0+s19+$0x0], $0xffff  }
0xc3: {  	s24 =	sand.u32 $0x3C00, s12;
	v7 =	vor.u32 $0x80, v0  }
0xc4: {  	s4 =	sadd.s32 $0x10800, s24;
	v8 =	vld.idx.msk [tilespmem:v4+s19+$0x0], $0xffff  }
0xc5: {  	s14 =	sor.u32 s16, s4;
	v9 =	vor.u32 $0x80, v4;
	v10 =	vld.idx.msk [tilespmem:v3+s19+$0x0], $0xffff  }
0xc6: {  	s1 =	sor.u32 s13, s4;
	v11 =	vor.u32 $0x80, v3;
	[tilespmem:s14+$0x0] =	vst v1  }
0xc7: {  	[tilespmem:s1+$0x0] =	vst v2;
	v1 =	vld.idx.msk [tilespmem:v6+s19+$0x0], $0xffff  }
0xc8: {  	s25 =	sor.u32 s22, s4;
	v2 =	vld.idx.msk [tilespmem:v7+s19+$0x0], $0xffff;
	v6 =	vor.u32 $0x100, v5  }
0xc9: {  	s4 =	sor.u32 s10, s4;
	v7 =	vor.u32 $0x100, v0;
	[tilespmem:s25+$0x0] =	vst v8  }
0xca: {  	v8 =	vld.idx.msk [tilespmem:v9+s19+$0x0], $0xffff;
	[tilespmem:s4+$0x0] =	vst v10  }
0xcb: {  	v9 =	vor.u32 $0x100, v4;
	v10 =	vld.idx.msk [tilespmem:v11+s19+$0x0], $0xffff  }
0xcc: {  	v11 =	vor.u32 $0x100, v3;
	[tilespmem:s14+$0x80] =	vst v1  }
0xcd: {  	[tilespmem:s1+$0x80] =	vst v2;
	v1 =	vld.idx.msk [tilespmem:v6+s19+$0x0], $0xffff  }
0xce: {  	v2 =	vld.idx.msk [tilespmem:v7+s19+$0x0], $0xffff;
	v6 =	vor.u32 $0x180, v5  }
0xcf: {  	v7 =	vor.u32 $0x180, v0;
	[tilespmem:s25+$0x80] =	vst v8  }
0xd0: {  	v8 =	vld.idx.msk [tilespmem:v9+s19+$0x0], $0xffff;
	[tilespmem:s4+$0x80] =	vst v10  }
0xd1: {  	s8 =	simm.s32 $0x40;
	v9 =	vor.u32 $0x180, v4;
	v10 =	vld.idx.msk [tilespmem:v11+s19+$0x0], $0xffff  }
0xd2: {  	s7 =	sand.u32 $0x40, s8;
	v11 =	vld [tilespmem:s8+$0x0];
	[tilespmem:s14+$0x100] =	vst v1  }
0xd3: {  	s26 =	sand.u32 $0x780, s8;
	s12 =	sor.u32 $0x30, s7;
	[tilespmem:s1+$0x100] =	vst v2;
	v1 =	vld.idx.msk [tilespmem:v6+s19+$0x0], $0xffff  }
0xd4: {  	s13 =	sor.u32 s12, s26;
	v2 =	vor.u32 $0x180, v3;
	v6 =	vld.idx.msk [tilespmem:v7+s19+$0x0], $0xffff  }
0xd5: {  	s11 =	sor.u32 $0x10, s7;
	v7 =	vor.u32 $0x200, v5;
	[tilespmem:s25+$0x100] =	vst v8;
	v8 =	vld [tilespmem:s13+$0x0]  }
0xd6: {  	s15 =	sor.u32 s11, s26;
	s13 =	sor.u32 $0x20, s7;
	v9 =	vld.idx.msk [tilespmem:v9+s19+$0x0], $0xffff  }
0xd7: {  	v13 =	vld [tilespmem:s15+$0x0];
	v12 =	vor.u32 $0x200, v4;
	s9 =	sor.u32 s13, s26;
	v14 =	vshll.u32 v11, $0x3  }
0xd8: {  	[tilespmem:s4+$0x100] =	vst v10;
	v10 =	vor.u32 $0x200, v0;
	v11 =	vand.u32 $0x7F, v11;
	v15 =	vld [tilespmem:s9+$0x0];
	v14 =	vand.u32 $0xFFFFFC00, v14  }
0xd9: {  	p1 =	por $0x0, $0x0;
	s9 =	simm.s32 $0x1;
	v16 =	vld.idx.msk [tilespmem:v2+s19+$0x0], $0xffff;
	[tilespmem:s14+$0x180] =	vst v1;
	v1 =	vor.u32 v11, v14  }
0xda: {  	s9 =	simm.s32 @!p1 $0x0;
	v11 =	vor.u32 $0x200, v3;
	v7 =	vld.idx.msk [tilespmem:v7+s19+$0x0], $0xffff;
	v2 =	vshll.u32 v8, $0x3  }
0xdb: {  	s16 =	sshll.u32 s9, $0x6;
	v8 =	vand.u32 $0x7F, v8;
	[tilespmem:s25+$0x180] =	vst v9;
	v2 =	vand.u32 $0xFFFFFC00, v2;
	v9 =	vor.u32 $0x280, v5  }
0xdc: {  	v14 =	vor.u32 $0x280, v4;
	[tilespmem:s1+$0x180] =	vst v6;
	s6 =	sadd.s32 $0x0, s16;
	v6 =	vld.idx.msk [tilespmem:v12+s19+$0x0], $0xffff;
	v12 =	vshll.u32 v13, $0x3;
	v2 =	vor.u32 v8, v2  }
0xdd: {  	s1 =	sadd.s32 $0x30, s6;
	v8 =	vld.idx.msk [tilespmem:v10+s19+$0x0], $0xffff;
	v10 =	vshll.u32 v15, $0x3;
	v13 =	vand.u32 $0x7F, v13;
	v12 =	vand.u32 $0xFFFFFC00, v12  }
0xde: {  	s17 =	sor.u32 $0x200, s1;
	v10 =	vand.u32 $0xFFFFFC00, v10;
	[tilespmem:s4+$0x180] =	vst v16;
	v17 =	vld.idx.msk [tilespmem:v1+s19+$0x0], $0xffff;
	v21 =	vor.u32 v13, v12;
	v12 =	vand.u32 $0x7F, v15  }
0xdf: {  	s10 =	sadd.s32 $0x10, s6;
	v11 =	vld.idx.msk [tilespmem:v11+s19+$0x0], $0xffff;
	v10 =	vor.u32 v12, v10;
	[tilespmem:s17+$0x10800] =	vst v7  }
0xe0: {  	s22 =	sor.u32 $0x200, s10;
	v7 =	vor.u32 $0x280, v0;
	v9 =	vld.idx.msk [tilespmem:v9+s19+$0x0], $0xffff  }
0xe1: {  	s9 =	simm.s32 $0x200;
	s23 =	sor.u32 $0x200, s6;
	v12 =	vor.u32 $0x280, v3;
	v13 =	vld.idx.msk [tilespmem:v2+s19+$0x0], $0xffff;
	[tilespmem:s22+$0x10800] =	vst v6  }
0xe2: {  	s14 =	sadd.s32 $0x20, s6;
	s25 =	sand.u32 $0x3C00, s9;
	[tilespmem:s23+$0x10800] =	vst v8;
	v8 =	vor.u32 $0x80, v1;
	v6 =	vld.idx.msk [tilespmem:v14+s19+$0x0], $0xffff  }
0xe3: {  	s24 =	sor.u32 $0x200, s14;
	s4 =	sadd.s32 $0x10800, s25;
	v14 =	vor.u32 $0x300, v5;
	v15 =	vld.idx.msk [tilespmem:v21+s19+$0x0], $0xffff  }
0xe4: {  	v16 =	vor.u32 $0x80, v2;
	s22 =	sor.u32 s12, s4;
	s12 =	sor.u32 s7, s4;
	[tilespmem:s24+$0x10800] =	vst v11;
	v18 =	vld.idx.msk [tilespmem:v10+s19+$0x0], $0xffff  }
0xe5: {  	s26 =	sor.u32 $0x280, s1;
	v19 =	vor.u32 $0x80, v21;
	[tilespmem:s12+$0x0] =	vst v17;
	v7 =	vld.idx.msk [tilespmem:v7+s19+$0x0], $0xffff  }
0xe6: {  	v11 =	vor.u32 $0x80, v10;
	v12 =	vld.idx.msk [tilespmem:v12+s19+$0x0], $0xffff;
	[tilespmem:s26+$0x10800] =	vst v9  }
0xe7: {  	s16 =	sor.u32 $0x280, s10;
	v9 =	vor.u32 $0x300, v4;
	[tilespmem:s22+$0x0] =	vst v13;
	v8 =	vld.idx.msk [tilespmem:v8+s19+$0x0], $0xffff  }
0xe8: {  	s28 =	sor.u32 s11, s4;
	v13 =	vld.idx.msk [tilespmem:v14+s19+$0x0], $0xffff;
	v14 =	vor.u32 $0x300, v3;
	[tilespmem:s16+$0x10800] =	vst v6  }
0xe9: {  	s17 =	sor.u32 s13, s4;
	v5 =	vor.u32 $0x380, v5;
	v16 =	vld.idx.msk [tilespmem:v16+s19+$0x0], $0xffff;
	[tilespmem:s28+$0x0] =	vst v15  }
0xea: {  	s23 =	sor.u32 $0x280, s14;
	v17 =	vor.u32 $0x100, v2;
	v15 =	vld.idx.msk [tilespmem:v19+s19+$0x0], $0xffff;
	[tilespmem:s17+$0x0] =	vst v18  }
0xeb: {  	v18 =	vor.u32 $0x100, v1;
	[tilespmem:s23+$0x10800] =	vst v12;
	v20 =	vld.idx.msk [tilespmem:v11+s19+$0x0], $0xffff  }
0xec: {  	s24 =	sor.u32 $0x300, s1;
	v6 =	vor.u32 $0x100, v21;
	v22 =	vld.idx.msk [tilespmem:v9+s19+$0x0], $0xffff;
	[tilespmem:s12+$0x80] =	vst v8  }
0xed: {  	v23 =	vor.u32 $0x100, v10;
	v14 =	vld.idx.msk [tilespmem:v14+s19+$0x0], $0xffff;
	[tilespmem:s24+$0x10800] =	vst v13  }
0xee: {  	[tilespmem:s22+$0x80] =	vst v16;
	v16 =	vor.u32 $0x300, v0;
	v24 =	vld.idx.msk [tilespmem:v5+s19+$0x0], $0xffff  }
0xef: {  	v25 =	vor.u32 $0x380, v4;
	v19 =	vld.idx.msk [tilespmem:v17+s19+$0x0], $0xffff;
	[tilespmem:s28+$0x80] =	vst v15  }
0xf0: {  	s26 =	sor.u32 $0x300, s10;
	v4 =	vor.u32 $0x380, v21;
	v17 =	vld.idx.msk [tilespmem:v18+s19+$0x0], $0xffff;
	[tilespmem:s17+$0x80] =	vst v20  }
0xf1: {  	s25 =	sor.u32 $0x280, s6;
	v11 =	vor.u32 $0x200, v21;
	v8 =	vor.u32 $0x280, v21;
	v18 =	vld.idx.msk [tilespmem:v6+s19+$0x0], $0xffff;
	[tilespmem:s26+$0x10800] =	vst v22;
	v22 =	vor.u32 $0x180, v2  }
0xf2: {  	s30 =	simm.s32 $0x80;
	s31 =	sor.u32 $0x300, s6;
	[tilespmem:s25+$0x10800] =	vst v7;
	v13 =	vor.u32 $0x180, v21;
	v6 =	vor.u32 $0x300, v21;
	v21 =	vor.u32 $0x180, v1;
	v20 =	vld.idx.msk [tilespmem:v23+s19+$0x0], $0xffff  }
0xf3: {  	s15 =	sor.u32 $0x380, s6;
	s29 =	sor.u32 $0x380, s10;
	s1 =	sor.u32 $0x380, s1;
	v3 =	vor.u32 $0x380, v3;
	v12 =	vor.u32 $0x180, v10;
	v7 =	vor.u32 $0x280, v10;
	v15 =	vld.idx.msk [tilespmem:v16+s19+$0x0], $0xffff  }
0xf4: {  	s7 =	simm.s32 $0x4;
	s16 =	sor.u32 $0x380, s14;
	v9 =	vor.u32 $0x200, v10;
	s24 =	sor.u32 $0x300, s14;
	v5 =	vor.u32 $0x300, v10;
	v10 =	vor.u32 $0x380, v10;
	v16 =	vld.idx.msk [tilespmem:v25+s19+$0x0], $0xffff;
	[tilespmem:s1+$0x10800] =	vst v24  }
.LBB2_5:
0xf5: {  	v23 =	vld [tilespmem:s30+$0x0];
	[tilespmem:s22+$0x100] =	vst v19;
	s8 =	sadd.s32 $0x40, s8  }
0xf6: {  	s7 =	sadd.s32 $0x4, s7;
	s14 =	sand.u32 $0x40, s8;
	[tilespmem:s12+$0x100] =	vst v17;
	v17 =	vld.idx.msk [tilespmem:v22+s19+$0x0], $0xffff  }
0xf7: {  	s1 =	sand.u32 $0x780, s8;
	p2 =	slt.u32 s7, $0x7C;
	s6 =	sor.u32 $0x30, s14;
	v19 =	vld.idx.msk [tilespmem:v21+s19+$0x0], $0xffff;
	[tilespmem:s28+$0x100] =	vst v18  }
0xf8: {  	s11 =	sor.u32 $0x10, s14;
	s10 =	sor.u32 $0x20, s14;
	v18 =	vor.u32 $0x200, v2;
	s4 =	sor.u32 s6, s1;
	v13 =	vld.idx.msk [tilespmem:v13+s19+$0x0], $0xffff;
	[tilespmem:s17+$0x100] =	vst v20  }
0xf9: {  	v21 =	vor.u32 $0x200, v1;
	s13 =	sor.u32 s11, s1;
	s1 =	sor.u32 s10, s1;
	v20 =	vld [tilespmem:s4+$0x0];
	[tilespmem:s24+$0x10800] =	vst v14  }
0xfa: {  	v14 =	vld [tilespmem:s13+$0x0];
	[tilespmem:s31+$0x10800] =	vst v15  }
0xfb: {  	v15 =	vshll.u32 v23, $0x3;
	v22 =	vld [tilespmem:s1+$0x0];
	[tilespmem:s29+$0x10800] =	vst v16  }
0xfc: {  	v16 =	vand.u32 $0x7F, v23;
	v15 =	vand.u32 $0xFFFFFC00, v15;
	v12 =	vld.idx.msk [tilespmem:v12+s19+$0x0], $0xffff;
	[tilespmem:s22+$0x180] =	vst v17;
	v17 =	vor.u32 $0x380, v0;
	v0 =	vmovc v1  }
0xfd: {  	p1 =	por !p1, !p1;
	s1 =	simm.s32 $0x1;
	v1 =	vor.u32 v16, v15;
	[tilespmem:s12+$0x180] =	vst v19;
	v15 =	vld.idx.msk [tilespmem:v18+s19+$0x0], $0xffff  }
0xfe: {  	s1 =	simm.s32 @!p1 $0x0;
	v16 =	vshll.u32 v20, $0x3;
	v18 =	vld.idx.msk [tilespmem:v21+s19+$0x0], $0xffff;
	[tilespmem:s28+$0x180] =	vst v13  }
0xff: {  	s1 =	sshll.u32 s1, $0x6;
	v13 =	vand.u32 $0x7F, v20;
	v16 =	vand.u32 $0xFFFFFC00, v16;
	v19 =	vld.idx.msk [tilespmem:v11+s19+$0x0], $0xffff;
	v11 =	vor.u32 $0x280, v2  }
0x100: {  	s12 =	sadd.s32 s1, s9;
	v20 =	vshll.u32 v14, $0x3;
	v21 =	vshll.u32 v22, $0x3;
	v16 =	vor.u32 v13, v16;
	v23 =	vld.idx.msk [tilespmem:v3+s19+$0x0], $0xffff;
	v3 =	vmovc v10  }
0x101: {  	s22 =	sadd.s32 $0x10, s12;
	s28 =	sadd.s32 $0x20, s12;
	s13 =	sadd.s32 $0x30, s12;
	v10 =	vand.u32 $0x7F, v14;
	v13 =	vand.u32 $0xFFFFFC00, v20;
	v14 =	vand.u32 $0xFFFFFC00, v21;
	v17 =	vld.idx.msk [tilespmem:v17+s19+$0x0], $0xffff  }
0x102: {  	s29 =	sor.u32 $0x200, s22;
	s1 =	sor.u32 $0x200, s13;
	v10 =	vor.u32 v10, v13;
	v13 =	vand.u32 $0x7F, v22;
	v21 =	vor.u32 $0x280, v0;
	v20 =	vld.idx.msk [tilespmem:v1+s19+$0x0], $0xffff;
	[tilespmem:s17+$0x180] =	vst v12;
	s17 =	sor.u32 $0x200, s28  }
0x103: {  	s24 =	sor.u32 $0x200, s12;
	s23 =	sor.u32 $0x280, s22;
	s4 =	sor.u32 $0x280, s28;
	v22 =	vor.u32 $0x80, v10;
	v24 =	vor.u32 $0x100, v10;
	v14 =	vor.u32 v13, v14;
	v25 =	vld.idx.msk [tilespmem:v9+s19+$0x0], $0xffff;
	[tilespmem:s1+$0x10800] =	vst v15  }
0x104: {  	s26 =	sor.u32 $0x280, s12;
	v13 =	vor.u32 $0x180, v10;
	v15 =	vor.u32 $0x80, v14;
	v26 =	vor.u32 $0x100, v14;
	s1 =	sor.u32 $0x300, s22;
	[tilespmem:s24+$0x10800] =	vst v18;
	s24 =	sor.u32 $0x300, s28;
	v18 =	vld.idx.msk [tilespmem:v11+s19+$0x0], $0xffff  }
0x105: {  	s31 =	sor.u32 $0x300, s12;
	v12 =	vor.u32 $0x180, v14;
	v9 =	vor.u32 $0x200, v14;
	v11 =	vor.u32 $0x200, v10;
	v27 =	vld.idx.msk [tilespmem:v16+s19+$0x0], $0xffff;
	[tilespmem:s29+$0x10800] =	vst v19;
	s29 =	sor.u32 $0x380, s22;
	s22 =	sor.u32 $0x380, s28  }
0x106: {  	v29 =	vor.u32 $0x300, v2;
	s12 =	sor.u32 $0x380, s12;
	v19 =	vor.u32 $0x280, v14;
	v28 =	vld.idx.msk [tilespmem:v8+s19+$0x0], $0xffff;
	v8 =	vor.u32 $0x280, v10;
	[tilespmem:s16+$0x10800] =	vst v23;
	s16 =	smov.u32 s22  }
0x107: {  	s9 =	sadd.s32 $0x200, s9;
	v32 =	vor.u32 $0x80, v16;
	v30 =	vor.u32 $0x300, v10;
	v31 =	vor.u32 $0x300, v14;
	v23 =	vld.idx.msk [tilespmem:v10+s19+$0x0], $0xffff;
	[tilespmem:s15+$0x10800] =	vst v17;
	s15 =	smov.u32 s12  }
0x108: {  	v33 =	vor.u32 $0x380, v10;
	s12 =	sand.u32 $0x3C00, s9;
	v17 =	vor.u32 $0x80, v1;
	v10 =	vor.u32 $0x380, v14;
	v34 =	vld.idx.msk [tilespmem:v14+s19+$0x0], $0xffff  }
0x109: {  	s25 =	sadd.s32 $0x10800, s12;
	v35 =	vld.idx.msk [tilespmem:v21+s19+$0x0], $0xffff;
	[tilespmem:s17+$0x10800] =	vst v25;
	s17 =	sor.u32 $0x280, s13  }
0x10a: {  	s12 =	sor.u32 s14, s25;
	s28 =	sor.u32 s11, s25;
	s22 =	sor.u32 s6, s25;
	v14 =	vld.idx.msk [tilespmem:v7+s19+$0x0], $0xffff;
	[tilespmem:s17+$0x10800] =	vst v18;
	v7 =	vmov v19  }
0x10b: {  	s17 =	sor.u32 s10, s25;
	[tilespmem:s22+$0x0] =	vst v27;
	v18 =	vld.idx.msk [tilespmem:v29+s19+$0x0], $0xffff  }
0x10c: {  	[tilespmem:s12+$0x0] =	vst v20;
	v19 =	vld.idx.msk [tilespmem:v32+s19+$0x0], $0xffff  }
0x10d: {  	v20 =	vor.u32 $0x380, v2;
	v2 =	vmov v16;
	v17 =	vld.idx.msk [tilespmem:v17+s19+$0x0], $0xffff;
	[tilespmem:s28+$0x0] =	vst v23  }
0x10e: {  	v21 =	vor.u32 $0x100, v2;
	v16 =	vld.idx.msk [tilespmem:v22+s19+$0x0], $0xffff;
	[tilespmem:s17+$0x0] =	vst v34  }
0x10f: {  	v22 =	vor.u32 $0x100, v1;
	v15 =	vld.idx.msk [tilespmem:v15+s19+$0x0], $0xffff;
	[tilespmem:s23+$0x10800] =	vst v28  }
0x110: {  	v23 =	vld.idx.msk [tilespmem:v6+s19+$0x0], $0xffff;
	[tilespmem:s4+$0x10800] =	vst v14;
	s4 =	sor.u32 $0x300, s13;
	v6 =	vmov v30  }
0x111: {  	v14 =	vld.idx.msk [tilespmem:v5+s19+$0x0], $0xffff;
	[tilespmem:s4+$0x10800] =	vst v18;
	v5 =	vmov v31  }
0x112: {  	v25 =	vor.u32 $0x300, v0;
	[tilespmem:s22+$0x80] =	vst v19;
	v27 =	vld.idx.msk [tilespmem:v20+s19+$0x0], $0xffff  }
0x113: {  	[tilespmem:s12+$0x80] =	vst v17;
	v19 =	vld.idx.msk [tilespmem:v21+s19+$0x0], $0xffff  }
.Ltmp1:
0x114: {  	v17 =	vld.idx.msk [tilespmem:v22+s19+$0x0], $0xffff;
	[tilespmem:s28+$0x80] =	vst v16;
	(pc) =	sbr.rel @p2 .LBB2_5-.Ltmp1, $4  }
0x115: {  	v22 =	vor.u32 $0x180, v2;
	v18 =	vld.idx.msk [tilespmem:v24+s19+$0x0], $0xffff;
	[tilespmem:s17+$0x80] =	vst v15  }
0x116: {  	v21 =	vor.u32 $0x180, v1;
	v20 =	vld.idx.msk [tilespmem:v26+s19+$0x0], $0xffff;
	[tilespmem:s26+$0x10800] =	vst v35  }
0x117: {  	v15 =	vld.idx.msk [tilespmem:v25+s19+$0x0], $0xffff;
	[tilespmem:s1+$0x10800] =	vst v23;
	s1 =	sor.u32 $0x380, s13  }
0x118: {  	s30 =	sadd.s32 $0x40, s30;
	v16 =	vld.idx.msk [tilespmem:v4+s19+$0x0], $0xffff;
	[tilespmem:s1+$0x10800] =	vst v27;
	v4 =	vmov v33  }
0x119: {  	_ =	sdelay $0x2  }
0x11a: {  	[tilespmem:s22+$0x100] =	vst v19  }
0x11b: {  	v19 =	vld.idx.msk [tilespmem:v22+s19+$0x0], $0xffff;
	[tilespmem:s28+$0x100] =	vst v18  }
0x11c: {  	v53 =	vor.u32 $0x200, v2;
	v13 =	vld.idx.msk [tilespmem:v13+s19+$0x0], $0xffff;
	_ =	sdelay $0x1  }
0x11d: {  	[tilespmem:s17+$0x100] =	vst v20  }
0x11e: {  	[tilespmem:s12+$0x100] =	vst v17;
	v12 =	vld.idx.msk [tilespmem:v12+s19+$0x0], $0xffff  }
0x11f: {  	p1 =	por !p1, !p1;
	s1 =	simm.s32 $0x1;
	v17 =	vld.idx.msk [tilespmem:v21+s19+$0x0], $0xffff;
	[tilespmem:s22+$0x180] =	vst v19  }
0x120: {  	v54 =	vor.u32 $0x200, v1;
	s1 =	simm.s32 @!p1 $0x0;
	v18 =	vld.idx.msk [tilespmem:v53+s19+$0x0], $0xffff;
	[tilespmem:s28+$0x180] =	vst v13  }
0x121: {  	v55 =	vor.u32 $0x280, v2;
	s1 =	sshll.u32 s1, $0x6;
	v11 =	vld.idx.msk [tilespmem:v11+s19+$0x0], $0xffff  }
0x122: {  	s1 =	sadd.s32 s1, s9  }
0x123: {  	s4 =	sadd.s32 $0x30, s1;
	[tilespmem:s17+$0x180] =	vst v12  }
0x124: {  	s6 =	sadd.s32 $0x10, s1;
	s7 =	sor.u32 $0x200, s4;
	[tilespmem:s12+$0x180] =	vst v17;
	v9 =	vld.idx.msk [tilespmem:v9+s19+$0x0], $0xffff  }
0x125: {  	s10 =	sor.u32 $0x200, s6;
	v56 =	vld.idx.msk [tilespmem:v54+s19+$0x0], $0xffff;
	[tilespmem:s7+$0x10800] =	vst v18  }
0x126: {  	v57 =	vor.u32 $0x280, v1;
	v13 =	vld.idx.msk [tilespmem:v55+s19+$0x0], $0xffff;
	[tilespmem:s10+$0x10800] =	vst v11  }
0x127: {  	v58 =	vor.u32 $0x300, v2;
	s8 =	sadd.s32 $0x20, s1;
	v8 =	vld.idx.msk [tilespmem:v8+s19+$0x0], $0xffff  }
0x128: {  	[tilespmem:s24+$0x10800] =	vst v14;
	s11 =	sor.u32 $0x200, s8  }
0x129: {  	s12 =	sor.u32 $0x200, s1;
	[tilespmem:s11+$0x10800] =	vst v9  }
0x12a: {  	v0 =	vor.u32 $0x380, v0;
	s13 =	sor.u32 $0x280, s4;
	[tilespmem:s12+$0x10800] =	vst v56;
	v7 =	vld.idx.msk [tilespmem:v7+s19+$0x0], $0xffff  }
0x12b: {  	s14 =	sor.u32 $0x280, s6;
	v59 =	vld.idx.msk [tilespmem:v57+s19+$0x0], $0xffff;
	[tilespmem:s13+$0x10800] =	vst v13  }
0x12c: {  	v60 =	vor.u32 $0x300, v1;
	v11 =	vld.idx.msk [tilespmem:v58+s19+$0x0], $0xffff;
	[tilespmem:s14+$0x10800] =	vst v8  }
0x12d: {  	v61 =	vor.u32 $0x380, v2;
	[tilespmem:s31+$0x10800] =	vst v15;
	v6 =	vld.idx.msk [tilespmem:v6+s19+$0x0], $0xffff  }
0x12e: {  	v3 =	vld.idx.msk [tilespmem:v3+s19+$0x0], $0xffff;
	[tilespmem:s29+$0x10800] =	vst v16;
	s17 =	sor.u32 $0x280, s8  }
0x12f: {  	v0 =	vld.idx.msk [tilespmem:v0+s19+$0x0], $0xffff;
	s22 =	sor.u32 $0x280, s1;
	[tilespmem:s17+$0x10800] =	vst v7  }
0x130: {  	s23 =	sor.u32 $0x300, s4;
	[tilespmem:s22+$0x10800] =	vst v59;
	v5 =	vld.idx.msk [tilespmem:v5+s19+$0x0], $0xffff  }
0x131: {  	s24 =	sor.u32 $0x300, s6;
	v62 =	vld.idx.msk [tilespmem:v60+s19+$0x0], $0xffff;
	[tilespmem:s23+$0x10800] =	vst v11  }
0x132: {  	v63 =	vor.u32 $0x380, v1;
	v2 =	vld.idx.msk [tilespmem:v61+s19+$0x0], $0xffff;
	[tilespmem:s24+$0x10800] =	vst v6  }
0x133: {  	[tilespmem:s16+$0x10800] =	vst v3;
	v4 =	vld.idx.msk [tilespmem:v4+s19+$0x0], $0xffff  }
0x134: {  	s25 =	sor.u32 $0x300, s8;
	[tilespmem:s15+$0x10800] =	vst v0  }
0x135: {  	s26 =	sor.u32 $0x300, s1;
	[tilespmem:s25+$0x10800] =	vst v5  }
0x136: {  	s4 =	sor.u32 $0x380, s4;
	[tilespmem:s26+$0x10800] =	vst v62;
	v5 =	vld.idx.msk [tilespmem:v10+s19+$0x0], $0xffff  }
0x137: {  	s6 =	sor.u32 $0x380, s6;
	v1 =	vld.idx.msk [tilespmem:v63+s19+$0x0], $0xffff;
	[tilespmem:s4+$0x10800] =	vst v2  }
0x138: {  	p1 =	sne.s32 s0, $0x14;
	[tilespmem:s6+$0x10800] =	vst v4  }
.Ltmp2:
0x139: {  	s6 =	rddreg [dreg:$0x9];
	(pc) =	sbr.rel @p1 .LBB2_8-.Ltmp2, $4  }
0x13a: {  	s28 =	sor.u32 $0x380, s8;
	s6 =	sadd.s32 s3, s6  }
0x13b: {  	s30 =	rddreg [dreg:$0x2];
	s1 =	sor.u32 $0x380, s1;
	[tilespmem:s28+$0x10800] =	vst v5;
	s29 =	sshll.u32 s6, $0x8  }
0x13c: {  	s31 =	simm.s32 $0x10800;
	[tilespmem:s1+$0x10800] =	vst v1;
	s1 =	sadd.s32 s30, s29  }
0x13d: {  	[hbm4b:s1+s5] =	stream.linear.scatter [tilespmem:s31], [sflag:$0x5], $0x4000, $0x38;
	[tilespmem:$0x18800] =	vst v63  }
.Ltmp3:
0x13e: {  	(pc) =	sbr.rel .LBB2_9-.Ltmp3, $4  }
0x13f: {  	s1 =	simm.s32 $0x3  }
0x140: {  	_ =	swait.ge [sflag:s1], $0x4000  }
0x141: {  	[sflag:s1] =	ssyncset.done $0x0  }
0x142: {  	[sflag:s1] =	ssyncadd.s32 $0xFFFFC000  }
.LBB2_8:
0x143: {  	s1 =	rddreg [dreg:$0xa]  }
0x144: {  	s1 =	sadd.s32 s2, s1  }
0x145: {  	s4 =	rddreg [dreg:$0x0];
	s1 =	sshll.u32 s1, $0xB  }
.Ltmp4:
0x146: {  	s31 =	simm.s32 $0x3;
	s1 =	sadd.s32 s4, s1;
	(pc) =	sbr.rel @p0 .LBB2_10-.Ltmp4, $4  }
0x147: {  	[tilespmem:s19], [sflag:$0x2] =	stream.linear.gather [hbm4b:s1+s5], $0x4000, $0x38;
	[tilespmem:$0x18800] =	vst v63  }
0x148: {  	_ =	swait.ge [sflag:s31], $0x4000  }
0x149: {  	[sflag:s31] =	ssyncset.done $0x0  }
0x14a: {  	[sflag:s31] =	ssyncadd.s32 $0xFFFFC000  }
.LBB2_9:
0x14b: {  	s1 =	simm.s32 $0x6  }
0x14c: {  	_ =	swait.ge [sflag:s1], $0x4000  }
0x14d: {  	[sflag:s1] =	ssyncset.done $0x0  }
0x14e: {  	[sflag:s1] =	ssyncadd.s32 $0xFFFFC000  }
.LBB2_10:
0x14f: {  	s1 =	simm.s32 $0x0  }
0x150: {  	s4 =	sand.u32 $0x40, s1  }
0x151: {  	s6 =	sand.u32 $0x780, s1;
	s7 =	sor.u32 $0x30, s4  }
0x152: {  	s8 =	sor.u32 s7, s6  }
0x153: {  	v0 =	vld [tilespmem:s8+$0x0]  }
0x154: {  	v1 =	vld [tilespmem:s1+$0x0];
	s24 =	sor.u32 $0x10, s4  }
0x155: {  	s9 =	sor.u32 $0x20, s4;
	s10 =	sor.u32 s24, s6  }
0x156: {  	s6 =	sor.u32 s9, s6;
	v2 =	vld [tilespmem:s10+$0x0]  }
0x157: {  	v3 =	vld [tilespmem:s6+$0x0]  }
0x158: {  	v4 =	vshll.u32 v0, $0x3  }
0x159: {  	v5 =	vshll.u32 v1, $0x3;
	v0 =	vand.u32 $0x7F, v0;
	v4 =	vand.u32 $0xFFFFFC00, v4  }
0x15a: {  	v1 =	vand.u32 $0x7F, v1;
	v6 =	vand.u32 $0xFFFFFC00, v5;
	v5 =	vor.u32 v0, v4  }
0x15b: {  	v0 =	vor.u32 v1, v6;
	v1 =	vshll.u32 v2, $0x3  }
0x15c: {  	v4 =	vshll.u32 v3, $0x3;
	v2 =	vand.u32 $0x7F, v2;
	v1 =	vand.u32 $0xFFFFFC00, v1  }
0x15d: {  	v6 =	vand.u32 $0xFFFFFC00, v4;
	v4 =	vor.u32 v2, v1;
	v1 =	vand.u32 $0x7F, v3  }
0x15e: {  	v3 =	vor.u32 v1, v6  }
0x15f: {  	v1 =	vld.idx.msk [tilespmem:v5+s20+$0x0], $0xffff  }
0x160: {  	v6 =	vor.u32 $0x80, v5;
	v2 =	vld.idx.msk [tilespmem:v0+s20+$0x0], $0xffff  }
0x161: {  	s1 =	sand.u32 $0x3C00, s1;
	v7 =	vor.u32 $0x80, v0  }
0x162: {  	s25 =	sadd.s32 $0x14800, s1;
	v8 =	vld.idx.msk [tilespmem:v4+s20+$0x0], $0xffff  }
0x163: {  	s13 =	sor.u32 s7, s25;
	v9 =	vor.u32 $0x80, v4;
	v10 =	vld.idx.msk [tilespmem:v3+s20+$0x0], $0xffff  }
0x164: {  	s1 =	sor.u32 s4, s25;
	v11 =	vor.u32 $0x80, v3;
	[tilespmem:s13+$0x0] =	vst v1  }
0x165: {  	[tilespmem:s1+$0x0] =	vst v2;
	v1 =	vld.idx.msk [tilespmem:v6+s20+$0x0], $0xffff  }
0x166: {  	s14 =	sor.u32 s24, s25;
	v2 =	vld.idx.msk [tilespmem:v7+s20+$0x0], $0xffff;
	v6 =	vor.u32 $0x100, v5  }
0x167: {  	s26 =	sor.u32 s9, s25;
	v7 =	vor.u32 $0x100, v0;
	[tilespmem:s14+$0x0] =	vst v8  }
0x168: {  	v8 =	vld.idx.msk [tilespmem:v9+s20+$0x0], $0xffff;
	[tilespmem:s26+$0x0] =	vst v10  }
0x169: {  	v9 =	vor.u32 $0x100, v4;
	v10 =	vld.idx.msk [tilespmem:v11+s20+$0x0], $0xffff  }
0x16a: {  	v11 =	vor.u32 $0x100, v3;
	[tilespmem:s13+$0x80] =	vst v1  }
0x16b: {  	[tilespmem:s1+$0x80] =	vst v2;
	v1 =	vld.idx.msk [tilespmem:v6+s20+$0x0], $0xffff  }
0x16c: {  	v2 =	vld.idx.msk [tilespmem:v7+s20+$0x0], $0xffff;
	v6 =	vor.u32 $0x180, v5  }
0x16d: {  	v7 =	vor.u32 $0x180, v0;
	[tilespmem:s14+$0x80] =	vst v8  }
0x16e: {  	v8 =	vld.idx.msk [tilespmem:v9+s20+$0x0], $0xffff;
	[tilespmem:s26+$0x80] =	vst v10  }
0x16f: {  	s8 =	simm.s32 $0x40;
	v9 =	vor.u32 $0x180, v4;
	v10 =	vld.idx.msk [tilespmem:v11+s20+$0x0], $0xffff  }
0x170: {  	s7 =	sand.u32 $0x40, s8;
	v11 =	vld [tilespmem:s8+$0x0];
	[tilespmem:s13+$0x100] =	vst v1  }
0x171: {  	s10 =	sand.u32 $0x780, s8;
	s12 =	sor.u32 $0x30, s7;
	[tilespmem:s1+$0x100] =	vst v2;
	v1 =	vld.idx.msk [tilespmem:v6+s20+$0x0], $0xffff  }
0x172: {  	s15 =	sor.u32 s12, s10;
	v2 =	vor.u32 $0x180, v3;
	v6 =	vld.idx.msk [tilespmem:v7+s20+$0x0], $0xffff  }
0x173: {  	s16 =	sor.u32 $0x10, s7;
	v7 =	vor.u32 $0x200, v5;
	[tilespmem:s14+$0x100] =	vst v8;
	v8 =	vld [tilespmem:s15+$0x0]  }
0x174: {  	s11 =	sor.u32 $0x20, s7;
	s17 =	sor.u32 s16, s10;
	v9 =	vld.idx.msk [tilespmem:v9+s20+$0x0], $0xffff  }
0x175: {  	s6 =	sor.u32 s11, s10;
	v13 =	vld [tilespmem:s17+$0x0];
	v12 =	vor.u32 $0x200, v4;
	v14 =	vshll.u32 v11, $0x3  }
0x176: {  	v15 =	vld [tilespmem:s6+$0x0];
	[tilespmem:s26+$0x100] =	vst v10;
	v10 =	vor.u32 $0x200, v0;
	v11 =	vand.u32 $0x7F, v11;
	v14 =	vand.u32 $0xFFFFFC00, v14  }
0x177: {  	p0 =	por $0x0, $0x0;
	s6 =	simm.s32 $0x1;
	v16 =	vld.idx.msk [tilespmem:v2+s20+$0x0], $0xffff;
	[tilespmem:s13+$0x180] =	vst v1;
	v1 =	vor.u32 v11, v14  }
0x178: {  	s6 =	simm.s32 @!p0 $0x0;
	v11 =	vor.u32 $0x200, v3;
	v7 =	vld.idx.msk [tilespmem:v7+s20+$0x0], $0xffff;
	v2 =	vshll.u32 v8, $0x3  }
0x179: {  	s6 =	sshll.u32 s6, $0x6;
	v8 =	vand.u32 $0x7F, v8;
	[tilespmem:s14+$0x180] =	vst v9;
	v2 =	vand.u32 $0xFFFFFC00, v2;
	v9 =	vor.u32 $0x280, v5  }
0x17a: {  	s6 =	sadd.s32 $0x0, s6;
	v14 =	vor.u32 $0x280, v4;
	[tilespmem:s1+$0x180] =	vst v6;
	v6 =	vld.idx.msk [tilespmem:v12+s20+$0x0], $0xffff;
	v12 =	vshll.u32 v13, $0x3;
	v2 =	vor.u32 v8, v2  }
0x17b: {  	s1 =	sadd.s32 $0x30, s6;
	v8 =	vld.idx.msk [tilespmem:v10+s20+$0x0], $0xffff;
	v10 =	vshll.u32 v15, $0x3;
	v13 =	vand.u32 $0x7F, v13;
	v12 =	vand.u32 $0xFFFFFC00, v12  }
0x17c: {  	s22 =	sor.u32 $0x200, s1;
	v10 =	vand.u32 $0xFFFFFC00, v10;
	[tilespmem:s26+$0x180] =	vst v16;
	v17 =	vld.idx.msk [tilespmem:v1+s20+$0x0], $0xffff;
	v21 =	vor.u32 v13, v12;
	v12 =	vand.u32 $0x7F, v15  }
0x17d: {  	s13 =	sadd.s32 $0x10, s6;
	v11 =	vld.idx.msk [tilespmem:v11+s20+$0x0], $0xffff;
	v10 =	vor.u32 v12, v10;
	[tilespmem:s22+$0x14800] =	vst v7  }
0x17e: {  	s23 =	sor.u32 $0x200, s13;
	v7 =	vor.u32 $0x280, v0;
	v9 =	vld.idx.msk [tilespmem:v9+s20+$0x0], $0xffff  }
0x17f: {  	s9 =	simm.s32 $0x200;
	s24 =	sor.u32 $0x200, s6;
	v12 =	vor.u32 $0x280, v3;
	v13 =	vld.idx.msk [tilespmem:v2+s20+$0x0], $0xffff;
	[tilespmem:s23+$0x14800] =	vst v6  }
0x180: {  	s25 =	sand.u32 $0x3C00, s9;
	s14 =	sadd.s32 $0x20, s6;
	[tilespmem:s24+$0x14800] =	vst v8;
	v8 =	vor.u32 $0x80, v1;
	v6 =	vld.idx.msk [tilespmem:v14+s20+$0x0], $0xffff  }
0x181: {  	s4 =	sadd.s32 $0x14800, s25;
	s15 =	sor.u32 $0x200, s14;
	v14 =	vor.u32 $0x300, v5;
	v15 =	vld.idx.msk [tilespmem:v21+s20+$0x0], $0xffff  }
0x182: {  	v16 =	vor.u32 $0x80, v2;
	s22 =	sor.u32 s12, s4;
	s12 =	sor.u32 s7, s4;
	[tilespmem:s15+$0x14800] =	vst v11;
	v18 =	vld.idx.msk [tilespmem:v10+s20+$0x0], $0xffff  }
0x183: {  	s26 =	sor.u32 $0x280, s1;
	v19 =	vor.u32 $0x80, v21;
	[tilespmem:s12+$0x0] =	vst v17;
	v22 =	vld.idx.msk [tilespmem:v7+s20+$0x0], $0xffff  }
0x184: {  	v7 =	vor.u32 $0x80, v10;
	v11 =	vld.idx.msk [tilespmem:v12+s20+$0x0], $0xffff;
	[tilespmem:s26+$0x14800] =	vst v9  }
0x185: {  	s28 =	sor.u32 s16, s4;
	s16 =	sor.u32 $0x280, s13;
	v9 =	vor.u32 $0x300, v4;
	[tilespmem:s22+$0x0] =	vst v13;
	v8 =	vld.idx.msk [tilespmem:v8+s20+$0x0], $0xffff  }
0x186: {  	v13 =	vor.u32 $0x300, v3;
	v12 =	vld.idx.msk [tilespmem:v14+s20+$0x0], $0xffff;
	[tilespmem:s16+$0x14800] =	vst v6  }
0x187: {  	s17 =	sor.u32 s11, s4;
	v5 =	vor.u32 $0x380, v5;
	v16 =	vld.idx.msk [tilespmem:v16+s20+$0x0], $0xffff;
	[tilespmem:s28+$0x0] =	vst v15  }
0x188: {  	s23 =	sor.u32 $0x280, s14;
	v17 =	vor.u32 $0x100, v2;
	v15 =	vld.idx.msk [tilespmem:v19+s20+$0x0], $0xffff;
	[tilespmem:s17+$0x0] =	vst v18  }
0x189: {  	s25 =	sor.u32 $0x280, s6;
	v18 =	vor.u32 $0x100, v1;
	[tilespmem:s23+$0x14800] =	vst v11;
	v7 =	vld.idx.msk [tilespmem:v7+s20+$0x0], $0xffff  }
0x18a: {  	s24 =	sor.u32 $0x300, s1;
	v6 =	vor.u32 $0x100, v21;
	[tilespmem:s25+$0x14800] =	vst v22;
	v23 =	vld.idx.msk [tilespmem:v9+s20+$0x0], $0xffff  }
0x18b: {  	v20 =	vor.u32 $0x100, v10;
	v14 =	vld.idx.msk [tilespmem:v13+s20+$0x0], $0xffff;
	[tilespmem:s24+$0x14800] =	vst v12  }
0x18c: {  	[tilespmem:s22+$0x80] =	vst v16;
	v16 =	vor.u32 $0x300, v0;
	v24 =	vld.idx.msk [tilespmem:v5+s20+$0x0], $0xffff  }
0x18d: {  	v25 =	vor.u32 $0x380, v4;
	[tilespmem:s12+$0x80] =	vst v8;
	v19 =	vld.idx.msk [tilespmem:v17+s20+$0x0], $0xffff  }
0x18e: {  	v4 =	vor.u32 $0x380, v21;
	v17 =	vld.idx.msk [tilespmem:v18+s20+$0x0], $0xffff;
	[tilespmem:s28+$0x80] =	vst v15  }
0x18f: {  	v11 =	vor.u32 $0x200, v21;
	v22 =	vor.u32 $0x180, v2;
	v13 =	vor.u32 $0x180, v21;
	v18 =	vld.idx.msk [tilespmem:v6+s20+$0x0], $0xffff;
	[tilespmem:s17+$0x80] =	vst v7  }
0x190: {  	s30 =	simm.s32 $0x80;
	s31 =	sor.u32 $0x300, s6;
	s26 =	sor.u32 $0x300, s13;
	v8 =	vor.u32 $0x280, v21;
	v6 =	vor.u32 $0x300, v21;
	v21 =	vor.u32 $0x180, v1;
	v20 =	vld.idx.msk [tilespmem:v20+s20+$0x0], $0xffff  }
0x191: {  	s29 =	sor.u32 $0x380, s13;
	s7 =	simm.s32 $0x4;
	s1 =	sor.u32 $0x380, s1;
	v3 =	vor.u32 $0x380, v3;
	v9 =	vor.u32 $0x200, v10;
	v12 =	vor.u32 $0x180, v10;
	[tilespmem:s26+$0x14800] =	vst v23;
	v15 =	vld.idx.msk [tilespmem:v16+s20+$0x0], $0xffff  }
0x192: {  	s15 =	sor.u32 $0x380, s6;
	s16 =	sor.u32 $0x380, s14;
	s24 =	sor.u32 $0x300, s14;
	v5 =	vor.u32 $0x300, v10;
	v7 =	vor.u32 $0x280, v10;
	v10 =	vor.u32 $0x380, v10;
	v16 =	vld.idx.msk [tilespmem:v25+s20+$0x0], $0xffff;
	[tilespmem:s1+$0x14800] =	vst v24  }
.LBB2_11:
0x193: {  	v23 =	vld [tilespmem:s30+$0x0];
	[tilespmem:s22+$0x100] =	vst v19;
	s8 =	sadd.s32 $0x40, s8  }
0x194: {  	s7 =	sadd.s32 $0x4, s7;
	s14 =	sand.u32 $0x40, s8;
	[tilespmem:s12+$0x100] =	vst v17;
	v17 =	vld.idx.msk [tilespmem:v22+s20+$0x0], $0xffff  }
0x195: {  	s1 =	sand.u32 $0x780, s8;
	p1 =	slt.u32 s7, $0x7C;
	s6 =	sor.u32 $0x30, s14;
	v19 =	vld.idx.msk [tilespmem:v21+s20+$0x0], $0xffff;
	[tilespmem:s28+$0x100] =	vst v18  }
0x196: {  	s11 =	sor.u32 $0x10, s14;
	s10 =	sor.u32 $0x20, s14;
	v18 =	vor.u32 $0x200, v2;
	s4 =	sor.u32 s6, s1;
	v13 =	vld.idx.msk [tilespmem:v13+s20+$0x0], $0xffff;
	[tilespmem:s17+$0x100] =	vst v20  }
0x197: {  	v21 =	vor.u32 $0x200, v1;
	s13 =	sor.u32 s11, s1;
	s1 =	sor.u32 s10, s1;
	v20 =	vld [tilespmem:s4+$0x0];
	[tilespmem:s24+$0x14800] =	vst v14  }
0x198: {  	v14 =	vld [tilespmem:s13+$0x0];
	[tilespmem:s31+$0x14800] =	vst v15  }
0x199: {  	v15 =	vshll.u32 v23, $0x3;
	v22 =	vld [tilespmem:s1+$0x0];
	[tilespmem:s29+$0x14800] =	vst v16  }
0x19a: {  	v16 =	vand.u32 $0x7F, v23;
	v15 =	vand.u32 $0xFFFFFC00, v15;
	v12 =	vld.idx.msk [tilespmem:v12+s20+$0x0], $0xffff;
	[tilespmem:s22+$0x180] =	vst v17;
	v17 =	vor.u32 $0x380, v0;
	v0 =	vmovc v1  }
0x19b: {  	p0 =	por !p0, !p0;
	s1 =	simm.s32 $0x1;
	v1 =	vor.u32 v16, v15;
	[tilespmem:s12+$0x180] =	vst v19;
	v15 =	vld.idx.msk [tilespmem:v18+s20+$0x0], $0xffff  }
0x19c: {  	s1 =	simm.s32 @!p0 $0x0;
	v16 =	vshll.u32 v20, $0x3;
	v18 =	vld.idx.msk [tilespmem:v21+s20+$0x0], $0xffff;
	[tilespmem:s28+$0x180] =	vst v13  }
0x19d: {  	s1 =	sshll.u32 s1, $0x6;
	v13 =	vand.u32 $0x7F, v20;
	v16 =	vand.u32 $0xFFFFFC00, v16;
	v19 =	vld.idx.msk [tilespmem:v11+s20+$0x0], $0xffff;
	v11 =	vor.u32 $0x280, v2  }
0x19e: {  	s12 =	sadd.s32 s1, s9;
	v20 =	vshll.u32 v14, $0x3;
	v21 =	vshll.u32 v22, $0x3;
	v16 =	vor.u32 v13, v16;
	v23 =	vld.idx.msk [tilespmem:v3+s20+$0x0], $0xffff;
	v3 =	vmovc v10  }
0x19f: {  	s22 =	sadd.s32 $0x10, s12;
	s25 =	sadd.s32 $0x20, s12;
	s13 =	sadd.s32 $0x30, s12;
	v10 =	vand.u32 $0x7F, v14;
	v13 =	vand.u32 $0xFFFFFC00, v20;
	v14 =	vand.u32 $0xFFFFFC00, v21;
	v17 =	vld.idx.msk [tilespmem:v17+s20+$0x0], $0xffff  }
0x1a0: {  	s28 =	sor.u32 $0x200, s22;
	s1 =	sor.u32 $0x200, s13;
	v10 =	vor.u32 v10, v13;
	v13 =	vand.u32 $0x7F, v22;
	v21 =	vor.u32 $0x280, v0;
	v20 =	vld.idx.msk [tilespmem:v1+s20+$0x0], $0xffff;
	[tilespmem:s17+$0x180] =	vst v12;
	s17 =	sor.u32 $0x200, s25  }
0x1a1: {  	s24 =	sor.u32 $0x200, s12;
	s23 =	sor.u32 $0x280, s22;
	s4 =	sor.u32 $0x280, s25;
	v22 =	vor.u32 $0x80, v10;
	v24 =	vor.u32 $0x100, v10;
	v14 =	vor.u32 v13, v14;
	v25 =	vld.idx.msk [tilespmem:v9+s20+$0x0], $0xffff;
	[tilespmem:s1+$0x14800] =	vst v15  }
0x1a2: {  	s26 =	sor.u32 $0x280, s12;
	v13 =	vor.u32 $0x180, v10;
	v15 =	vor.u32 $0x80, v14;
	v26 =	vor.u32 $0x100, v14;
	s1 =	sor.u32 $0x300, s22;
	[tilespmem:s24+$0x14800] =	vst v18;
	s24 =	sor.u32 $0x300, s25;
	v18 =	vld.idx.msk [tilespmem:v11+s20+$0x0], $0xffff  }
0x1a3: {  	s31 =	sor.u32 $0x300, s12;
	s29 =	sor.u32 $0x380, s22;
	v12 =	vor.u32 $0x180, v14;
	v9 =	vor.u32 $0x200, v14;
	s22 =	sor.u32 $0x380, s25;
	v11 =	vor.u32 $0x200, v10;
	v27 =	vld.idx.msk [tilespmem:v16+s20+$0x0], $0xffff;
	[tilespmem:s28+$0x14800] =	vst v19  }
0x1a4: {  	v29 =	vor.u32 $0x300, v2;
	s12 =	sor.u32 $0x380, s12;
	v19 =	vor.u32 $0x280, v14;
	v28 =	vld.idx.msk [tilespmem:v8+s20+$0x0], $0xffff;
	v8 =	vor.u32 $0x280, v10;
	[tilespmem:s16+$0x14800] =	vst v23;
	s16 =	smov.u32 s22  }
0x1a5: {  	s9 =	sadd.s32 $0x200, s9;
	v32 =	vor.u32 $0x80, v16;
	v30 =	vor.u32 $0x300, v10;
	v31 =	vor.u32 $0x300, v14;
	v23 =	vld.idx.msk [tilespmem:v10+s20+$0x0], $0xffff;
	[tilespmem:s15+$0x14800] =	vst v17;
	s15 =	smov.u32 s12  }
0x1a6: {  	v33 =	vor.u32 $0x380, v10;
	s12 =	sand.u32 $0x3C00, s9;
	v17 =	vor.u32 $0x80, v1;
	v10 =	vor.u32 $0x380, v14;
	v34 =	vld.idx.msk [tilespmem:v14+s20+$0x0], $0xffff  }
0x1a7: {  	s25 =	sadd.s32 $0x14800, s12;
	v35 =	vld.idx.msk [tilespmem:v21+s20+$0x0], $0xffff;
	[tilespmem:s17+$0x14800] =	vst v25;
	s17 =	sor.u32 $0x280, s13  }
0x1a8: {  	s12 =	sor.u32 s14, s25;
	s28 =	sor.u32 s11, s25;
	s22 =	sor.u32 s6, s25;
	v14 =	vld.idx.msk [tilespmem:v7+s20+$0x0], $0xffff;
	[tilespmem:s17+$0x14800] =	vst v18;
	v7 =	vmov v19  }
0x1a9: {  	s17 =	sor.u32 s10, s25;
	[tilespmem:s22+$0x0] =	vst v27;
	v18 =	vld.idx.msk [tilespmem:v29+s20+$0x0], $0xffff  }
0x1aa: {  	[tilespmem:s12+$0x0] =	vst v20;
	v19 =	vld.idx.msk [tilespmem:v32+s20+$0x0], $0xffff  }
0x1ab: {  	v20 =	vor.u32 $0x380, v2;
	v2 =	vmov v16;
	v17 =	vld.idx.msk [tilespmem:v17+s20+$0x0], $0xffff;
	[tilespmem:s28+$0x0] =	vst v23  }
0x1ac: {  	v21 =	vor.u32 $0x100, v2;
	v16 =	vld.idx.msk [tilespmem:v22+s20+$0x0], $0xffff;
	[tilespmem:s17+$0x0] =	vst v34  }
0x1ad: {  	v22 =	vor.u32 $0x100, v1;
	v15 =	vld.idx.msk [tilespmem:v15+s20+$0x0], $0xffff;
	[tilespmem:s23+$0x14800] =	vst v28  }
0x1ae: {  	v23 =	vld.idx.msk [tilespmem:v6+s20+$0x0], $0xffff;
	[tilespmem:s4+$0x14800] =	vst v14;
	s4 =	sor.u32 $0x300, s13;
	v6 =	vmov v30  }
0x1af: {  	v14 =	vld.idx.msk [tilespmem:v5+s20+$0x0], $0xffff;
	[tilespmem:s4+$0x14800] =	vst v18;
	v5 =	vmov v31  }
0x1b0: {  	v25 =	vor.u32 $0x300, v0;
	[tilespmem:s22+$0x80] =	vst v19;
	v27 =	vld.idx.msk [tilespmem:v20+s20+$0x0], $0xffff  }
0x1b1: {  	[tilespmem:s12+$0x80] =	vst v17;
	v19 =	vld.idx.msk [tilespmem:v21+s20+$0x0], $0xffff  }
.Ltmp5:
0x1b2: {  	v17 =	vld.idx.msk [tilespmem:v22+s20+$0x0], $0xffff;
	[tilespmem:s28+$0x80] =	vst v16;
	(pc) =	sbr.rel @p1 .LBB2_11-.Ltmp5, $4  }
0x1b3: {  	v22 =	vor.u32 $0x180, v2;
	v18 =	vld.idx.msk [tilespmem:v24+s20+$0x0], $0xffff;
	[tilespmem:s17+$0x80] =	vst v15  }
0x1b4: {  	v21 =	vor.u32 $0x180, v1;
	v20 =	vld.idx.msk [tilespmem:v26+s20+$0x0], $0xffff;
	[tilespmem:s26+$0x14800] =	vst v35  }
0x1b5: {  	v15 =	vld.idx.msk [tilespmem:v25+s20+$0x0], $0xffff;
	[tilespmem:s1+$0x14800] =	vst v23;
	s1 =	sor.u32 $0x380, s13  }
0x1b6: {  	s30 =	sadd.s32 $0x40, s30;
	v16 =	vld.idx.msk [tilespmem:v4+s20+$0x0], $0xffff;
	[tilespmem:s1+$0x14800] =	vst v27;
	v4 =	vmov v33  }
0x1b7: {  	_ =	sdelay $0x2  }
0x1b8: {  	[tilespmem:s22+$0x100] =	vst v19  }
0x1b9: {  	v19 =	vld.idx.msk [tilespmem:v22+s20+$0x0], $0xffff;
	[tilespmem:s28+$0x100] =	vst v18  }
0x1ba: {  	v53 =	vor.u32 $0x200, v2;
	v13 =	vld.idx.msk [tilespmem:v13+s20+$0x0], $0xffff;
	_ =	sdelay $0x1  }
0x1bb: {  	[tilespmem:s17+$0x100] =	vst v20  }
0x1bc: {  	[tilespmem:s12+$0x100] =	vst v17;
	v12 =	vld.idx.msk [tilespmem:v12+s20+$0x0], $0xffff  }
0x1bd: {  	p0 =	por !p0, !p0;
	s1 =	simm.s32 $0x1;
	v17 =	vld.idx.msk [tilespmem:v21+s20+$0x0], $0xffff;
	[tilespmem:s22+$0x180] =	vst v19  }
0x1be: {  	v54 =	vor.u32 $0x200, v1;
	s1 =	simm.s32 @!p0 $0x0;
	v18 =	vld.idx.msk [tilespmem:v53+s20+$0x0], $0xffff;
	[tilespmem:s28+$0x180] =	vst v13  }
0x1bf: {  	v55 =	vor.u32 $0x280, v2;
	s1 =	sshll.u32 s1, $0x6;
	v11 =	vld.idx.msk [tilespmem:v11+s20+$0x0], $0xffff  }
0x1c0: {  	s1 =	sadd.s32 s1, s9  }
0x1c1: {  	s4 =	sadd.s32 $0x30, s1;
	[tilespmem:s17+$0x180] =	vst v12  }
0x1c2: {  	s6 =	sadd.s32 $0x10, s1;
	s7 =	sor.u32 $0x200, s4;
	[tilespmem:s12+$0x180] =	vst v17;
	v9 =	vld.idx.msk [tilespmem:v9+s20+$0x0], $0xffff  }
0x1c3: {  	s11 =	sor.u32 $0x200, s6;
	v56 =	vld.idx.msk [tilespmem:v54+s20+$0x0], $0xffff;
	[tilespmem:s7+$0x14800] =	vst v18  }
0x1c4: {  	v57 =	vor.u32 $0x280, v1;
	v13 =	vld.idx.msk [tilespmem:v55+s20+$0x0], $0xffff;
	[tilespmem:s11+$0x14800] =	vst v11  }
0x1c5: {  	v58 =	vor.u32 $0x300, v2;
	s8 =	sadd.s32 $0x20, s1;
	v8 =	vld.idx.msk [tilespmem:v8+s20+$0x0], $0xffff  }
0x1c6: {  	[tilespmem:s24+$0x14800] =	vst v14;
	s12 =	sor.u32 $0x200, s8  }
0x1c7: {  	s13 =	sor.u32 $0x200, s1;
	[tilespmem:s12+$0x14800] =	vst v9  }
0x1c8: {  	v0 =	vor.u32 $0x380, v0;
	s14 =	sor.u32 $0x280, s4;
	[tilespmem:s13+$0x14800] =	vst v56;
	v7 =	vld.idx.msk [tilespmem:v7+s20+$0x0], $0xffff  }
0x1c9: {  	s17 =	sor.u32 $0x280, s6;
	v59 =	vld.idx.msk [tilespmem:v57+s20+$0x0], $0xffff;
	[tilespmem:s14+$0x14800] =	vst v13  }
0x1ca: {  	v60 =	vor.u32 $0x300, v1;
	v11 =	vld.idx.msk [tilespmem:v58+s20+$0x0], $0xffff;
	[tilespmem:s17+$0x14800] =	vst v8  }
0x1cb: {  	v61 =	vor.u32 $0x380, v2;
	[tilespmem:s31+$0x14800] =	vst v15;
	v6 =	vld.idx.msk [tilespmem:v6+s20+$0x0], $0xffff  }
0x1cc: {  	v3 =	vld.idx.msk [tilespmem:v3+s20+$0x0], $0xffff;
	[tilespmem:s29+$0x14800] =	vst v16;
	s22 =	sor.u32 $0x280, s8  }
0x1cd: {  	s23 =	sor.u32 $0x280, s1;
	v0 =	vld.idx.msk [tilespmem:v0+s20+$0x0], $0xffff;
	[tilespmem:s22+$0x14800] =	vst v7  }
0x1ce: {  	s24 =	sor.u32 $0x300, s4;
	[tilespmem:s23+$0x14800] =	vst v59;
	v5 =	vld.idx.msk [tilespmem:v5+s20+$0x0], $0xffff  }
0x1cf: {  	s25 =	sor.u32 $0x300, s6;
	v62 =	vld.idx.msk [tilespmem:v60+s20+$0x0], $0xffff;
	[tilespmem:s24+$0x14800] =	vst v11  }
0x1d0: {  	v63 =	vor.u32 $0x380, v1;
	v2 =	vld.idx.msk [tilespmem:v61+s20+$0x0], $0xffff;
	[tilespmem:s25+$0x14800] =	vst v6  }
0x1d1: {  	[tilespmem:s16+$0x14800] =	vst v3;
	v4 =	vld.idx.msk [tilespmem:v4+s20+$0x0], $0xffff  }
0x1d2: {  	s26 =	sor.u32 $0x300, s8;
	[tilespmem:s15+$0x14800] =	vst v0  }
0x1d3: {  	s28 =	sor.u32 $0x300, s1;
	[tilespmem:s26+$0x14800] =	vst v5  }
0x1d4: {  	s4 =	sor.u32 $0x380, s4;
	[tilespmem:s28+$0x14800] =	vst v62;
	v5 =	vld.idx.msk [tilespmem:v10+s20+$0x0], $0xffff  }
0x1d5: {  	s6 =	sor.u32 $0x380, s6;
	v1 =	vld.idx.msk [tilespmem:v63+s20+$0x0], $0xffff;
	[tilespmem:s4+$0x14800] =	vst v2  }
0x1d6: {  	p0 =	seq.s32 s0, $0x14;
	[tilespmem:s6+$0x14800] =	vst v4  }
.Ltmp6:
0x1d7: {  	s6 =	rddreg [dreg:$0xb];
	(pc) =	sbr.rel @p0 .LBB2_14-.Ltmp6, $4  }
0x1d8: {  	s29 =	sor.u32 $0x380, s8;
	s3 =	sadd.s32 s3, s6  }
0x1d9: {  	s30 =	rddreg [dreg:$0x2];
	s1 =	sor.u32 $0x380, s1;
	[tilespmem:s29+$0x14800] =	vst v5;
	s3 =	sshll.u32 s3, $0x8  }
0x1da: {  	s31 =	simm.s32 $0x14800;
	[tilespmem:s1+$0x14800] =	vst v1;
	s1 =	sadd.s32 s30, s3  }
0x1db: {  	[hbm4b:s1+s5] =	stream.linear.scatter [tilespmem:s31], [sflag:$0x6], $0x4000, $0x38;
	[tilespmem:$0x18800] =	vst v63  }
.Ltmp7:
0x1dc: {  	s1 =	rddreg [dreg:$0xc];
	(pc) =	sbr.rel .LBB2_2-.Ltmp7, $4  }
0x1dd: {  	s1 =	sadd.s32 s2, s1  }
0x1de: {  	s31 =	rddreg [dreg:$0x0];
	s1 =	sshll.u32 s1, $0xB  }
0x1df: {  	s0 =	sadd.s32 $0x1, s0;
	s1 =	sadd.s32 s31, s1  }
0x1e0: {  	[tilespmem:s20], [sflag:$0x3] =	stream.linear.gather [hbm4b:s1+s5], $0x4000, $0x38;
	[tilespmem:$0x18800] =	vst v63  }
.LBB2_14:
0x1e1: {  	_ =	swait.ge [sflag:s21], $0x4000  }
0x1e2: {  	[sflag:s21] =	ssyncset.done $0x0  }
0x1e3: {  	s0 =	simm.s32 $0x0;
	s29 =	simm.s32 $0x4;
	[sflag:s21] =	ssyncadd.s32 $0xFFFFC000  }
0x1e4: {  	s1 =	sand.u32 $0x40, s0;
	_ =	swait.ge [sflag:s29], $0x4000  }
0x1e5: {  	s2 =	sand.u32 $0x780, s0;
	s3 =	sor.u32 $0x30, s1;
	[sflag:s29] =	ssyncset.done $0x0  }
0x1e6: {  	s4 =	sor.u32 s3, s2;
	[sflag:s29] =	ssyncadd.s32 $0xFFFFC000  }
0x1e7: {  	v0 =	vld [tilespmem:s4+$0x0]  }
0x1e8: {  	s24 =	sor.u32 $0x10, s1;
	v1 =	vld [tilespmem:s0+$0x0]  }
0x1e9: {  	s6 =	sor.u32 $0x20, s1;
	s7 =	sor.u32 s24, s2  }
0x1ea: {  	s2 =	sor.u32 s6, s2;
	v2 =	vld [tilespmem:s7+$0x0]  }
0x1eb: {  	v3 =	vld [tilespmem:s2+$0x0]  }
0x1ec: {  	v4 =	vshll.u32 v0, $0x3  }
0x1ed: {  	v5 =	vshll.u32 v1, $0x3;
	v0 =	vand.u32 $0x7F, v0;
	v4 =	vand.u32 $0xFFFFFC00, v4  }
0x1ee: {  	v1 =	vand.u32 $0x7F, v1;
	v6 =	vand.u32 $0xFFFFFC00, v5;
	v5 =	vor.u32 v0, v4  }
0x1ef: {  	v0 =	vor.u32 v1, v6;
	v1 =	vshll.u32 v2, $0x3  }
0x1f0: {  	v4 =	vshll.u32 v3, $0x3;
	v2 =	vand.u32 $0x7F, v2;
	v1 =	vand.u32 $0xFFFFFC00, v1  }
0x1f1: {  	v6 =	vand.u32 $0xFFFFFC00, v4;
	v4 =	vor.u32 v2, v1;
	v1 =	vand.u32 $0x7F, v3  }
0x1f2: {  	v3 =	vor.u32 v1, v6  }
0x1f3: {  	v1 =	vld.idx.msk [tilespmem:v5+s18+$0x0], $0xffff  }
0x1f4: {  	v6 =	vor.u32 $0x80, v5;
	v2 =	vld.idx.msk [tilespmem:v0+s18+$0x0], $0xffff  }
0x1f5: {  	s0 =	sand.u32 $0x3C00, s0;
	v7 =	vor.u32 $0x80, v0  }
0x1f6: {  	s0 =	sadd.s32 $0xC800, s0;
	v8 =	vld.idx.msk [tilespmem:v4+s18+$0x0], $0xffff  }
0x1f7: {  	s3 =	sor.u32 s3, s0;
	v9 =	vor.u32 $0x80, v4;
	v10 =	vld.idx.msk [tilespmem:v3+s18+$0x0], $0xffff  }
0x1f8: {  	s1 =	sor.u32 s1, s0;
	v11 =	vor.u32 $0x80, v3;
	[tilespmem:s3+$0x0] =	vst v1  }
0x1f9: {  	[tilespmem:s1+$0x0] =	vst v2;
	v1 =	vld.idx.msk [tilespmem:v6+s18+$0x0], $0xffff  }
0x1fa: {  	s4 =	sor.u32 s24, s0;
	v2 =	vld.idx.msk [tilespmem:v7+s18+$0x0], $0xffff;
	v6 =	vor.u32 $0x100, v5  }
0x1fb: {  	s25 =	sor.u32 s6, s0;
	v7 =	vor.u32 $0x100, v0;
	[tilespmem:s4+$0x0] =	vst v8  }
0x1fc: {  	v8 =	vld.idx.msk [tilespmem:v9+s18+$0x0], $0xffff;
	[tilespmem:s25+$0x0] =	vst v10  }
0x1fd: {  	v9 =	vor.u32 $0x100, v4;
	v10 =	vld.idx.msk [tilespmem:v11+s18+$0x0], $0xffff  }
0x1fe: {  	v11 =	vor.u32 $0x100, v3;
	[tilespmem:s3+$0x80] =	vst v1  }
0x1ff: {  	[tilespmem:s1+$0x80] =	vst v2;
	v1 =	vld.idx.msk [tilespmem:v6+s18+$0x0], $0xffff  }
0x200: {  	v2 =	vld.idx.msk [tilespmem:v7+s18+$0x0], $0xffff;
	v6 =	vor.u32 $0x180, v5  }
0x201: {  	v7 =	vor.u32 $0x180, v0;
	[tilespmem:s4+$0x80] =	vst v8  }
0x202: {  	v8 =	vld.idx.msk [tilespmem:v9+s18+$0x0], $0xffff;
	[tilespmem:s25+$0x80] =	vst v10  }
0x203: {  	s0 =	simm.s32 $0x40;
	v9 =	vor.u32 $0x180, v4;
	v10 =	vld.idx.msk [tilespmem:v11+s18+$0x0], $0xffff  }
0x204: {  	s26 =	sand.u32 $0x40, s0;
	v11 =	vld [tilespmem:s0+$0x0];
	[tilespmem:s3+$0x100] =	vst v1  }
0x205: {  	s10 =	sand.u32 $0x780, s0;
	s9 =	sor.u32 $0x30, s26;
	[tilespmem:s1+$0x100] =	vst v2;
	v1 =	vld.idx.msk [tilespmem:v6+s18+$0x0], $0xffff  }
0x206: {  	s8 =	sor.u32 s9, s10;
	v2 =	vor.u32 $0x180, v3;
	v6 =	vld.idx.msk [tilespmem:v7+s18+$0x0], $0xffff  }
0x207: {  	s30 =	sor.u32 $0x10, s26;
	v7 =	vor.u32 $0x200, v5;
	[tilespmem:s4+$0x100] =	vst v8;
	v8 =	vld [tilespmem:s8+$0x0]  }
0x208: {  	s31 =	sor.u32 $0x20, s26;
	s11 =	sor.u32 s30, s10;
	v9 =	vld.idx.msk [tilespmem:v9+s18+$0x0], $0xffff  }
0x209: {  	s10 =	sor.u32 s31, s10;
	v13 =	vld [tilespmem:s11+$0x0];
	v12 =	vor.u32 $0x200, v4;
	v14 =	vshll.u32 v11, $0x3  }
0x20a: {  	v15 =	vld [tilespmem:s10+$0x0];
	[tilespmem:s25+$0x100] =	vst v10;
	v10 =	vor.u32 $0x200, v0;
	v11 =	vand.u32 $0x7F, v11;
	v14 =	vand.u32 $0xFFFFFC00, v14  }
0x20b: {  	p0 =	por $0x0, $0x0;
	v16 =	vld.idx.msk [tilespmem:v2+s18+$0x0], $0xffff;
	[tilespmem:s3+$0x180] =	vst v1;
	v1 =	vor.u32 v11, v14;
	s3 =	simm.s32 $0x1  }
0x20c: {  	v11 =	vor.u32 $0x200, v3;
	v7 =	vld.idx.msk [tilespmem:v7+s18+$0x0], $0xffff;
	v2 =	vshll.u32 v8, $0x3;
	s3 =	simm.s32 @!p0 $0x0  }
0x20d: {  	v8 =	vand.u32 $0x7F, v8;
	[tilespmem:s4+$0x180] =	vst v9;
	v2 =	vand.u32 $0xFFFFFC00, v2;
	s3 =	sshll.u32 s3, $0x6;
	v9 =	vor.u32 $0x280, v5  }
0x20e: {  	v14 =	vor.u32 $0x280, v4;
	[tilespmem:s1+$0x180] =	vst v6;
	v6 =	vld.idx.msk [tilespmem:v12+s18+$0x0], $0xffff;
	v12 =	vshll.u32 v13, $0x3;
	v2 =	vor.u32 v8, v2;
	s3 =	sadd.s32 $0x0, s3  }
0x20f: {  	v8 =	vld.idx.msk [tilespmem:v10+s18+$0x0], $0xffff;
	v10 =	vshll.u32 v15, $0x3;
	v13 =	vand.u32 $0x7F, v13;
	v12 =	vand.u32 $0xFFFFFC00, v12;
	s11 =	sadd.s32 $0x30, s3  }
0x210: {  	v10 =	vand.u32 $0xFFFFFC00, v10;
	[tilespmem:s25+$0x180] =	vst v16;
	v17 =	vld.idx.msk [tilespmem:v1+s18+$0x0], $0xffff;
	v21 =	vor.u32 v13, v12;
	v12 =	vand.u32 $0x7F, v15;
	s12 =	sor.u32 $0x200, s11  }
0x211: {  	s13 =	sadd.s32 $0x10, s3;
	v11 =	vld.idx.msk [tilespmem:v11+s18+$0x0], $0xffff;
	v10 =	vor.u32 v12, v10;
	[tilespmem:s12+$0xC800] =	vst v7  }
0x212: {  	s14 =	sor.u32 $0x200, s13;
	v7 =	vor.u32 $0x280, v0;
	v9 =	vld.idx.msk [tilespmem:v9+s18+$0x0], $0xffff  }
0x213: {  	s2 =	simm.s32 $0x200;
	s17 =	sor.u32 $0x200, s3;
	v12 =	vor.u32 $0x280, v3;
	v13 =	vld.idx.msk [tilespmem:v2+s18+$0x0], $0xffff;
	[tilespmem:s14+$0xC800] =	vst v6  }
0x214: {  	s22 =	sand.u32 $0x3C00, s2;
	s15 =	sadd.s32 $0x20, s3;
	[tilespmem:s17+$0xC800] =	vst v8;
	v8 =	vor.u32 $0x80, v1;
	v6 =	vld.idx.msk [tilespmem:v14+s18+$0x0], $0xffff  }
0x215: {  	s4 =	sadd.s32 $0xC800, s22;
	s12 =	sor.u32 $0x200, s15;
	v14 =	vor.u32 $0x300, v5;
	v15 =	vld.idx.msk [tilespmem:v21+s18+$0x0], $0xffff  }
0x216: {  	v16 =	vor.u32 $0x80, v2;
	[tilespmem:s12+$0xC800] =	vst v11;
	s12 =	sor.u32 s26, s4;
	v18 =	vld.idx.msk [tilespmem:v10+s18+$0x0], $0xffff  }
0x217: {  	s23 =	sor.u32 $0x280, s11;
	v19 =	vor.u32 $0x80, v21;
	v22 =	vld.idx.msk [tilespmem:v7+s18+$0x0], $0xffff;
	[tilespmem:s12+$0x0] =	vst v17  }
0x218: {  	s22 =	sor.u32 s9, s4;
	v7 =	vor.u32 $0x80, v10;
	v11 =	vld.idx.msk [tilespmem:v12+s18+$0x0], $0xffff;
	[tilespmem:s23+$0xC800] =	vst v9  }
0x219: {  	s24 =	sor.u32 $0x280, s13;
	v9 =	vor.u32 $0x300, v4;
	[tilespmem:s22+$0x0] =	vst v13;
	v8 =	vld.idx.msk [tilespmem:v8+s18+$0x0], $0xffff  }
0x21a: {  	s28 =	sor.u32 s30, s4;
	v13 =	vor.u32 $0x300, v3;
	v12 =	vld.idx.msk [tilespmem:v14+s18+$0x0], $0xffff;
	[tilespmem:s24+$0xC800] =	vst v6  }
0x21b: {  	s9 =	sor.u32 s31, s4;
	v5 =	vor.u32 $0x380, v5;
	v16 =	vld.idx.msk [tilespmem:v16+s18+$0x0], $0xffff;
	[tilespmem:s28+$0x0] =	vst v15  }
0x21c: {  	s25 =	sor.u32 $0x280, s15;
	v17 =	vor.u32 $0x100, v2;
	v15 =	vld.idx.msk [tilespmem:v19+s18+$0x0], $0xffff;
	[tilespmem:s9+$0x0] =	vst v18  }
0x21d: {  	s30 =	sor.u32 $0x280, s3;
	v18 =	vor.u32 $0x100, v1;
	[tilespmem:s25+$0xC800] =	vst v11;
	v7 =	vld.idx.msk [tilespmem:v7+s18+$0x0], $0xffff  }
0x21e: {  	s26 =	sor.u32 $0x300, s11;
	v6 =	vor.u32 $0x100, v21;
	[tilespmem:s30+$0xC800] =	vst v22;
	v23 =	vld.idx.msk [tilespmem:v9+s18+$0x0], $0xffff  }
0x21f: {  	v20 =	vor.u32 $0x100, v10;
	v14 =	vld.idx.msk [tilespmem:v13+s18+$0x0], $0xffff;
	[tilespmem:s26+$0xC800] =	vst v12  }
0x220: {  	[tilespmem:s22+$0x80] =	vst v16;
	v16 =	vor.u32 $0x300, v0;
	v24 =	vld.idx.msk [tilespmem:v5+s18+$0x0], $0xffff  }
0x221: {  	v25 =	vor.u32 $0x380, v4;
	[tilespmem:s12+$0x80] =	vst v8;
	v19 =	vld.idx.msk [tilespmem:v17+s18+$0x0], $0xffff  }
0x222: {  	v4 =	vor.u32 $0x380, v21;
	v17 =	vld.idx.msk [tilespmem:v18+s18+$0x0], $0xffff;
	[tilespmem:s28+$0x80] =	vst v15  }
0x223: {  	v11 =	vor.u32 $0x200, v21;
	v22 =	vor.u32 $0x180, v2;
	v13 =	vor.u32 $0x180, v21;
	v18 =	vld.idx.msk [tilespmem:v6+s18+$0x0], $0xffff;
	[tilespmem:s9+$0x80] =	vst v7  }
0x224: {  	s7 =	simm.s32 $0x4;
	s31 =	sor.u32 $0x300, s13;
	s16 =	sor.u32 $0x380, s13;
	v8 =	vor.u32 $0x280, v21;
	v6 =	vor.u32 $0x300, v21;
	v21 =	vor.u32 $0x180, v1;
	v20 =	vld.idx.msk [tilespmem:v20+s18+$0x0], $0xffff  }
0x225: {  	s1 =	sor.u32 $0x380, s11;
	s8 =	sor.u32 $0x380, s15;
	s17 =	sor.u32 $0x300, s3;
	v3 =	vor.u32 $0x380, v3;
	v9 =	vor.u32 $0x200, v10;
	v12 =	vor.u32 $0x180, v10;
	[tilespmem:s31+$0xC800] =	vst v23;
	v15 =	vld.idx.msk [tilespmem:v16+s18+$0x0], $0xffff  }
0x226: {  	s3 =	sor.u32 $0x380, s3;
	s24 =	sor.u32 $0x300, s15;
	s15 =	simm.s32 $0x80;
	v5 =	vor.u32 $0x300, v10;
	v7 =	vor.u32 $0x280, v10;
	v10 =	vor.u32 $0x380, v10;
	v16 =	vld.idx.msk [tilespmem:v25+s18+$0x0], $0xffff;
	[tilespmem:s1+$0xC800] =	vst v24  }
.LBB2_15:
0x227: {  	v23 =	vld [tilespmem:s15+$0x0];
	[tilespmem:s22+$0x100] =	vst v19;
	s0 =	sadd.s32 $0x40, s0  }
0x228: {  	s7 =	sadd.s32 $0x4, s7;
	s14 =	sand.u32 $0x40, s0;
	[tilespmem:s12+$0x100] =	vst v17;
	v17 =	vld.idx.msk [tilespmem:v22+s18+$0x0], $0xffff  }
0x229: {  	s1 =	sand.u32 $0x780, s0;
	p1 =	slt.u32 s7, $0x7C;
	s6 =	sor.u32 $0x30, s14;
	v19 =	vld.idx.msk [tilespmem:v21+s18+$0x0], $0xffff;
	[tilespmem:s28+$0x100] =	vst v18  }
0x22a: {  	s11 =	sor.u32 $0x10, s14;
	s10 =	sor.u32 $0x20, s14;
	v18 =	vor.u32 $0x200, v2;
	s4 =	sor.u32 s6, s1;
	v13 =	vld.idx.msk [tilespmem:v13+s18+$0x0], $0xffff;
	[tilespmem:s9+$0x100] =	vst v20  }
0x22b: {  	v21 =	vor.u32 $0x200, v1;
	s13 =	sor.u32 s11, s1;
	s1 =	sor.u32 s10, s1;
	v20 =	vld [tilespmem:s4+$0x0];
	[tilespmem:s24+$0xC800] =	vst v14  }
0x22c: {  	v14 =	vld [tilespmem:s13+$0x0];
	[tilespmem:s17+$0xC800] =	vst v15  }
0x22d: {  	v15 =	vshll.u32 v23, $0x3;
	v22 =	vld [tilespmem:s1+$0x0];
	[tilespmem:s16+$0xC800] =	vst v16  }
0x22e: {  	v16 =	vand.u32 $0x7F, v23;
	v15 =	vand.u32 $0xFFFFFC00, v15;
	v12 =	vld.idx.msk [tilespmem:v12+s18+$0x0], $0xffff;
	[tilespmem:s22+$0x180] =	vst v17;
	v17 =	vor.u32 $0x380, v0;
	v0 =	vmovc v1  }
0x22f: {  	p0 =	por !p0, !p0;
	s1 =	simm.s32 $0x1;
	v1 =	vor.u32 v16, v15;
	[tilespmem:s12+$0x180] =	vst v19;
	v15 =	vld.idx.msk [tilespmem:v18+s18+$0x0], $0xffff  }
0x230: {  	s1 =	simm.s32 @!p0 $0x0;
	v16 =	vshll.u32 v20, $0x3;
	v18 =	vld.idx.msk [tilespmem:v21+s18+$0x0], $0xffff;
	[tilespmem:s28+$0x180] =	vst v13  }
0x231: {  	s1 =	sshll.u32 s1, $0x6;
	v13 =	vand.u32 $0x7F, v20;
	v16 =	vand.u32 $0xFFFFFC00, v16;
	v19 =	vld.idx.msk [tilespmem:v11+s18+$0x0], $0xffff;
	v11 =	vor.u32 $0x280, v2  }
0x232: {  	s12 =	sadd.s32 s1, s2;
	v20 =	vshll.u32 v14, $0x3;
	v21 =	vshll.u32 v22, $0x3;
	v16 =	vor.u32 v13, v16;
	v23 =	vld.idx.msk [tilespmem:v3+s18+$0x0], $0xffff;
	v3 =	vmovc v10  }
0x233: {  	s16 =	sadd.s32 $0x10, s12;
	s22 =	sadd.s32 $0x20, s12;
	s13 =	sadd.s32 $0x30, s12;
	v10 =	vand.u32 $0x7F, v14;
	v13 =	vand.u32 $0xFFFFFC00, v20;
	v14 =	vand.u32 $0xFFFFFC00, v21;
	v17 =	vld.idx.msk [tilespmem:v17+s18+$0x0], $0xffff  }
0x234: {  	s25 =	sor.u32 $0x200, s16;
	s1 =	sor.u32 $0x200, s13;
	v10 =	vor.u32 v10, v13;
	v13 =	vand.u32 $0x7F, v22;
	v21 =	vor.u32 $0x280, v0;
	v20 =	vld.idx.msk [tilespmem:v1+s18+$0x0], $0xffff;
	[tilespmem:s9+$0x180] =	vst v12;
	s9 =	sor.u32 $0x200, s22  }
0x235: {  	s17 =	sor.u32 $0x200, s12;
	s23 =	sor.u32 $0x280, s16;
	s4 =	sor.u32 $0x280, s22;
	v22 =	vor.u32 $0x80, v10;
	v24 =	vor.u32 $0x100, v10;
	v14 =	vor.u32 v13, v14;
	v25 =	vld.idx.msk [tilespmem:v9+s18+$0x0], $0xffff;
	[tilespmem:s1+$0xC800] =	vst v15  }
0x236: {  	s26 =	sor.u32 $0x280, s12;
	s24 =	sor.u32 $0x300, s22;
	v13 =	vor.u32 $0x180, v10;
	v15 =	vor.u32 $0x80, v14;
	v26 =	vor.u32 $0x100, v14;
	s1 =	sor.u32 $0x300, s16;
	[tilespmem:s17+$0xC800] =	vst v18;
	v18 =	vld.idx.msk [tilespmem:v11+s18+$0x0], $0xffff  }
0x237: {  	s22 =	sor.u32 $0x380, s22;
	v12 =	vor.u32 $0x180, v14;
	v9 =	vor.u32 $0x200, v14;
	s16 =	sor.u32 $0x380, s16;
	v11 =	vor.u32 $0x200, v10;
	s17 =	sor.u32 $0x300, s12;
	v27 =	vld.idx.msk [tilespmem:v16+s18+$0x0], $0xffff;
	[tilespmem:s25+$0xC800] =	vst v19  }
0x238: {  	v29 =	vor.u32 $0x300, v2;
	s12 =	sor.u32 $0x380, s12;
	v19 =	vor.u32 $0x280, v14;
	v28 =	vld.idx.msk [tilespmem:v8+s18+$0x0], $0xffff;
	v8 =	vor.u32 $0x280, v10;
	[tilespmem:s8+$0xC800] =	vst v23;
	s8 =	smov.u32 s22  }
0x239: {  	s2 =	sadd.s32 $0x200, s2;
	v32 =	vor.u32 $0x80, v16;
	v30 =	vor.u32 $0x300, v10;
	v31 =	vor.u32 $0x300, v14;
	v23 =	vld.idx.msk [tilespmem:v10+s18+$0x0], $0xffff;
	[tilespmem:s3+$0xC800] =	vst v17;
	s3 =	smov.u32 s12  }
0x23a: {  	v33 =	vor.u32 $0x380, v10;
	s12 =	sand.u32 $0x3C00, s2;
	v17 =	vor.u32 $0x80, v1;
	v10 =	vor.u32 $0x380, v14;
	v34 =	vld.idx.msk [tilespmem:v14+s18+$0x0], $0xffff  }
0x23b: {  	s25 =	sadd.s32 $0xC800, s12;
	v35 =	vld.idx.msk [tilespmem:v21+s18+$0x0], $0xffff;
	[tilespmem:s9+$0xC800] =	vst v25;
	s9 =	sor.u32 $0x280, s13  }
0x23c: {  	s12 =	sor.u32 s14, s25;
	s28 =	sor.u32 s11, s25;
	s22 =	sor.u32 s6, s25;
	v14 =	vld.idx.msk [tilespmem:v7+s18+$0x0], $0xffff;
	[tilespmem:s9+$0xC800] =	vst v18;
	v7 =	vmov v19  }
0x23d: {  	s9 =	sor.u32 s10, s25;
	[tilespmem:s22+$0x0] =	vst v27;
	v18 =	vld.idx.msk [tilespmem:v29+s18+$0x0], $0xffff  }
0x23e: {  	[tilespmem:s12+$0x0] =	vst v20;
	v19 =	vld.idx.msk [tilespmem:v32+s18+$0x0], $0xffff  }
0x23f: {  	v20 =	vor.u32 $0x380, v2;
	v2 =	vmov v16;
	v17 =	vld.idx.msk [tilespmem:v17+s18+$0x0], $0xffff;
	[tilespmem:s28+$0x0] =	vst v23  }
0x240: {  	v21 =	vor.u32 $0x100, v2;
	v16 =	vld.idx.msk [tilespmem:v22+s18+$0x0], $0xffff;
	[tilespmem:s9+$0x0] =	vst v34  }
0x241: {  	v22 =	vor.u32 $0x100, v1;
	v15 =	vld.idx.msk [tilespmem:v15+s18+$0x0], $0xffff;
	[tilespmem:s23+$0xC800] =	vst v28  }
0x242: {  	v23 =	vld.idx.msk [tilespmem:v6+s18+$0x0], $0xffff;
	[tilespmem:s4+$0xC800] =	vst v14;
	s4 =	sor.u32 $0x300, s13;
	v6 =	vmov v30  }
0x243: {  	v14 =	vld.idx.msk [tilespmem:v5+s18+$0x0], $0xffff;
	[tilespmem:s4+$0xC800] =	vst v18;
	v5 =	vmov v31  }
0x244: {  	v25 =	vor.u32 $0x300, v0;
	[tilespmem:s22+$0x80] =	vst v19;
	v27 =	vld.idx.msk [tilespmem:v20+s18+$0x0], $0xffff  }
0x245: {  	[tilespmem:s12+$0x80] =	vst v17;
	v19 =	vld.idx.msk [tilespmem:v21+s18+$0x0], $0xffff  }
.Ltmp8:
0x246: {  	v17 =	vld.idx.msk [tilespmem:v22+s18+$0x0], $0xffff;
	[tilespmem:s28+$0x80] =	vst v16;
	(pc) =	sbr.rel @p1 .LBB2_15-.Ltmp8, $4  }
0x247: {  	v22 =	vor.u32 $0x180, v2;
	v18 =	vld.idx.msk [tilespmem:v24+s18+$0x0], $0xffff;
	[tilespmem:s9+$0x80] =	vst v15  }
0x248: {  	v21 =	vor.u32 $0x180, v1;
	v20 =	vld.idx.msk [tilespmem:v26+s18+$0x0], $0xffff;
	[tilespmem:s26+$0xC800] =	vst v35  }
0x249: {  	v15 =	vld.idx.msk [tilespmem:v25+s18+$0x0], $0xffff;
	[tilespmem:s1+$0xC800] =	vst v23;
	s1 =	sor.u32 $0x380, s13  }
0x24a: {  	s15 =	sadd.s32 $0x40, s15;
	v16 =	vld.idx.msk [tilespmem:v4+s18+$0x0], $0xffff;
	[tilespmem:s1+$0xC800] =	vst v27;
	v4 =	vmov v33  }
0x24b: {  	_ =	sdelay $0x2  }
0x24c: {  	[tilespmem:s22+$0x100] =	vst v19  }
0x24d: {  	[tilespmem:s12+$0x100] =	vst v17;
	v19 =	vld.idx.msk [tilespmem:v22+s18+$0x0], $0xffff  }
0x24e: {  	v53 =	vor.u32 $0x200, v2;
	[tilespmem:s28+$0x100] =	vst v18;
	v17 =	vld.idx.msk [tilespmem:v21+s18+$0x0], $0xffff  }
0x24f: {  	v54 =	vor.u32 $0x200, v1;
	v13 =	vld.idx.msk [tilespmem:v13+s18+$0x0], $0xffff;
	[tilespmem:s9+$0x100] =	vst v20  }
0x250: {  	v12 =	vld.idx.msk [tilespmem:v12+s18+$0x0], $0xffff;
	_ =	sdelay $0x1  }
0x251: {  	p0 =	por !p0, !p0;
	s0 =	simm.s32 $0x1;
	[tilespmem:s22+$0x180] =	vst v19  }
0x252: {  	s0 =	simm.s32 @!p0 $0x0;
	[tilespmem:s12+$0x180] =	vst v17;
	v18 =	vld.idx.msk [tilespmem:v53+s18+$0x0], $0xffff  }
0x253: {  	v55 =	vor.u32 $0x280, v2;
	s0 =	sshll.u32 s0, $0x6;
	[tilespmem:s28+$0x180] =	vst v13;
	v56 =	vld.idx.msk [tilespmem:v54+s18+$0x0], $0xffff  }
0x254: {  	v57 =	vor.u32 $0x280, v1;
	s0 =	sadd.s32 s0, s2;
	v11 =	vld.idx.msk [tilespmem:v11+s18+$0x0], $0xffff;
	[tilespmem:s9+$0x180] =	vst v12  }
0x255: {  	s1 =	sadd.s32 $0x30, s0;
	v9 =	vld.idx.msk [tilespmem:v9+s18+$0x0], $0xffff  }
0x256: {  	s4 =	sor.u32 $0x200, s1  }
0x257: {  	s2 =	sadd.s32 $0x10, s0;
	s11 =	sor.u32 $0x200, s0;
	[tilespmem:s4+$0xC800] =	vst v18  }
0x258: {  	s6 =	sadd.s32 $0x20, s0;
	s7 =	sor.u32 $0x200, s2;
	[tilespmem:s11+$0xC800] =	vst v56;
	v13 =	vld.idx.msk [tilespmem:v55+s18+$0x0], $0xffff  }
0x259: {  	v58 =	vor.u32 $0x300, v2;
	s10 =	sor.u32 $0x200, s6;
	[tilespmem:s7+$0xC800] =	vst v11;
	v59 =	vld.idx.msk [tilespmem:v57+s18+$0x0], $0xffff  }
0x25a: {  	v60 =	vor.u32 $0x300, v1;
	v8 =	vld.idx.msk [tilespmem:v8+s18+$0x0], $0xffff;
	[tilespmem:s10+$0xC800] =	vst v9  }
0x25b: {  	v7 =	vld.idx.msk [tilespmem:v7+s18+$0x0], $0xffff  }
0x25c: {  	[tilespmem:s24+$0xC800] =	vst v14;
	s12 =	sor.u32 $0x280, s1  }
0x25d: {  	s15 =	sor.u32 $0x280, s0;
	[tilespmem:s12+$0xC800] =	vst v13  }
0x25e: {  	v0 =	vor.u32 $0x380, v0;
	s13 =	sor.u32 $0x280, s2;
	[tilespmem:s15+$0xC800] =	vst v59;
	v11 =	vld.idx.msk [tilespmem:v58+s18+$0x0], $0xffff  }
0x25f: {  	v61 =	vor.u32 $0x380, v2;
	s14 =	sor.u32 $0x280, s6;
	[tilespmem:s13+$0xC800] =	vst v8;
	v62 =	vld.idx.msk [tilespmem:v60+s18+$0x0], $0xffff  }
0x260: {  	v63 =	vor.u32 $0x380, v1;
	v6 =	vld.idx.msk [tilespmem:v6+s18+$0x0], $0xffff;
	[tilespmem:s14+$0xC800] =	vst v7  }
0x261: {  	[tilespmem:s17+$0xC800] =	vst v15;
	v5 =	vld.idx.msk [tilespmem:v5+s18+$0x0], $0xffff  }
0x262: {  	v3 =	vld.idx.msk [tilespmem:v3+s18+$0x0], $0xffff;
	[tilespmem:s16+$0xC800] =	vst v16;
	s17 =	sor.u32 $0x300, s1  }
0x263: {  	s24 =	sor.u32 $0x300, s0;
	v0 =	vld.idx.msk [tilespmem:v0+s18+$0x0], $0xffff;
	[tilespmem:s17+$0xC800] =	vst v11  }
0x264: {  	s22 =	sor.u32 $0x300, s2;
	[tilespmem:s24+$0xC800] =	vst v62;
	v2 =	vld.idx.msk [tilespmem:v61+s18+$0x0], $0xffff  }
0x265: {  	s23 =	sor.u32 $0x300, s6;
	[tilespmem:s22+$0xC800] =	vst v6;
	v1 =	vld.idx.msk [tilespmem:v63+s18+$0x0], $0xffff  }
0x266: {  	v4 =	vld.idx.msk [tilespmem:v4+s18+$0x0], $0xffff;
	[tilespmem:s23+$0xC800] =	vst v5  }
0x267: {  	[tilespmem:s8+$0xC800] =	vst v3;
	v5 =	vld.idx.msk [tilespmem:v10+s18+$0x0], $0xffff  }
0x268: {  	s1 =	sor.u32 $0x380, s1;
	[tilespmem:s3+$0xC800] =	vst v0  }
0x269: {  	s0 =	sor.u32 $0x380, s0;
	[tilespmem:s1+$0xC800] =	vst v2  }
0x26a: {  	s2 =	sor.u32 $0x380, s2;
	[tilespmem:s0+$0xC800] =	vst v1  }
0x26b: {  	s25 =	sor.u32 $0x380, s6;
	[tilespmem:s2+$0xC800] =	vst v4  }
0x26c: {  	[tilespmem:s25+$0xC800] =	vst v5  }
0x26d: {  	s26 =	simm.s32 $0xC800;
	s0 =	rddreg [dreg:$0xd]  }
0x26e: {  	[hbm4b:s0+s5] =	stream.linear.scatter [tilespmem:s26], [sflag:$0x4], $0x4000, $0x38;
	[tilespmem:$0x18800] =	vst v63  }
0x26f: {  	_ =	swait.ge [sflag:s29], $0x4000  }
0x270: {  	[sflag:s29] =	ssyncset.done $0x0  }
0x271: {  	s28 =	simm.s32 $0x5;
	[sflag:s29] =	ssyncadd.s32 $0xFFFFC000  }
0x272: {  	_ =	swait.ge [sflag:s28], $0x4000  }
0x273: {  	[sflag:s28] =	ssyncset.done $0x0  }
0x274: {  	s29 =	simm.s32 $0x6;
	[sflag:s28] =	ssyncadd.s32 $0xFFFFC000  }
0x275: {  	_ =	swait.ge [sflag:s29], $0x4000  }
0x276: {  	s30 =	rddreg [dreg:$0xf]  }
0x277: {  	s31 =	rddreg [dreg:$0xe];
	s2 =	sadd.s32 $0x1, s30  }
0x278: {  	p0 =	sne.s32 s2, s31  }
.Ltmp9:
0x279: {  	_ = 	snop;
	(pc) =	sbr.rel @p0 .LBB2_1-.Ltmp9, $3  }
0x27a: {  	_ =	sdelay $0x1  }
0x27b: {  	[sflag:s29] =	ssyncset.done $0x0  }
0x27c: {  	[sflag:s29] =	ssyncadd.s32 $0xFFFFC000  }
0x27d: {  	_ =	sfence.sel $0x180000  }
0x27e: {  	[bflag:$0x0] =	sbarrier.arrive $0xFFFF  }
0x27f: {  	_ =	strace $0x90000047  }
0x280: {  	s0 =	stileid.u32;
	[bflag:$0x2] =	sbarrier.arrive $0xFFFF  }
0x281: {  	p0 =	sne.s32 s0, $0x0;
	s0 =	rddreg [dreg:$0x3]  }
0x282: {  	s0 =	sadd.s32 @!p0 $0x100000, s0  }
0x283: {  	[sflag:s0] =	ssyncadd.tile.s32 @!p0 $0x1;
	_ =	shalt  }
.Lfunc_end2:
_tile_overlayer_lowered:
.L_overlay_start_2:
0x284: {  	(tag) =	ssettag $0x2  }
0x285: {  	s0 =	rddreg [dreg:$0x0];
	s2 =	stileid.u32  }
0x286: {  	s1 =	rddreg [dreg:$0x1];
	p0 =	sne.s32 s2, $0x0  }
0x287: {  	s3 =	rddreg [dreg:$0x2];
	[bflag:$0x3] =	sbarrier.arrive $0xFFFF;
	s2 =	simm.s32 @!p0 $0x1C07  }
0x288: {  	[timem:s3], [sflag:s2] =	dma.local @!p0 [hbm:s0], s1  }
0x289: {  	s0 =	simm.s32 @!p0 $0x7  }
0x28a: {  	_ =	swait.ge @!p0 [sflag:s0], s1  }
0x28b: {  	s1 =	ssub.s32 @!p0 $0x0, s1;
	[sflag:s0] =	ssyncset.done @!p0 $0x0  }
0x28c: {  	[sflag:s0] =	ssyncadd.s32 @!p0 s1  }
0x28d: {  	[bflag:$0x3] =	sbarrier.arrive $0xFFFF  }
0x28e: {  	_ =	shalt  }

</sc_bundles>
